<compile_context>
chip_gen: v7x
topology: tpu7x:2x2x1
jax: 0.10.2.dev20260603
libtpu: 0.0.44.dev20260713+nightly
codegen_flags: <defaults>
</compile_context>

<pallas_src>
import functools

import jax
import jax.numpy as jnp
from jax import lax
from jax.experimental import pallas as pl
from jax.experimental.pallas import tpu as pltpu
from jax.experimental.pallas import tpu_sc as plsc

N = 10000
E = 320000
D = 128
D_EMB = 64
D_OUT = 40
EPS_BN = 1e-5

NC = 2
NS = 16
NPAD = 10240
HALF = NPAD // NC
HALFP = 5248
TRASH = HALF
CH = 128
EPT = E // NS
KCH = 160
EPT_PAD = KCH * CH
RPT = HALFP // NS


DEGW = 4


def _deg_body(dst_hbm, ones_hbm, zeros_hbm, out_hbm, di_v, ones_v, semd,
              deg_sh):
    c = lax.axis_index("c")
    s = lax.axis_index("s")
    wid = c * NS + s
    row0 = s * RPT
    pltpu.sync_copy(dst_hbm.at[wid], di_v)
    pltpu.sync_copy(ones_hbm, ones_v)
    pltpu.sync_copy(zeros_hbm.at[pl.ds(row0, RPT)],
                    deg_sh.at[pl.ds(row0, RPT)])
    plsc.subcore_barrier()

    for b in range(DEGW):
        pltpu.async_copy(ones_v, deg_sh.at[di_v.at[b]], semd, add=True)

    def chunk_body(j, carry):
        pltpu.make_async_copy(ones_v, deg_sh.at[di_v.at[0]], semd).wait()

        @pl.when(j + DEGW < KCH)
        def _():
            pltpu.async_copy(ones_v, deg_sh.at[di_v.at[j + DEGW]], semd,
                             add=True)
        return carry

    lax.fori_loop(0, KCH, chunk_body, 0)
    plsc.subcore_barrier()
    pltpu.sync_copy(deg_sh.at[pl.ds(row0, RPT)],
                    out_hbm.at[c].at[pl.ds(row0, RPT)])


NB = 2


def _agg_body(z_hbm, src_hbm, dst_hbm, zeros_hbm, p_hbm,
              si_v, di_v, gbuf0, gbuf1,
              semg0, semg1, sems0, sems1, agg_sh):
    c = lax.axis_index("c")
    s = lax.axis_index("s")
    wid = c * NS + s
    row0 = s * RPT
    pltpu.sync_copy(src_hbm.at[s], si_v)
    pltpu.sync_copy(dst_hbm.at[wid], di_v)
    pltpu.sync_copy(zeros_hbm.at[pl.ds(row0, RPT)],
                    agg_sh.at[pl.ds(row0, RPT)])
    plsc.subcore_barrier()

    gbufs = (gbuf0, gbuf1)
    semg = (semg0, semg1)
    sems = (sems0, sems1)
    for b in range(NB):
        pltpu.async_copy(z_hbm.at[si_v.at[b]], gbufs[b], semg[b])

    def ring_body(i, carry):
        j0 = i * NB
        for b in range(NB):
            j = j0 + b
            pltpu.make_async_copy(z_hbm.at[si_v.at[0]], gbufs[b],
                                  semg[b]).wait()
            pltpu.async_copy(gbufs[b], agg_sh.at[di_v.at[j]], sems[b],
                             add=True)
        for b in range(NB):
            j = j0 + b

            @pl.when(j + NB < KCH)
            def _():
                pltpu.make_async_copy(gbufs[b], agg_sh.at[di_v.at[0]],
                                      sems[b]).wait()
                pltpu.async_copy(z_hbm.at[si_v.at[j + NB]], gbufs[b],
                                 semg[b])
        return carry

    lax.fori_loop(0, KCH // NB, ring_body, 0)
    for b in range(NB):
        pltpu.make_async_copy(gbufs[b], agg_sh.at[di_v.at[0]], sems[b]).wait()
    plsc.subcore_barrier()
    pltpu.sync_copy(agg_sh.at[pl.ds(row0, RPT)],
                    p_hbm.at[c].at[pl.ds(row0, RPT)])


@functools.cache
def _sc_kernels():
    mesh = plsc.VectorSubcoreMesh(core_axis_name="c", subcore_axis_name="s")
    deg = pl.kernel(
        _deg_body,
        out_type=jax.ShapeDtypeStruct((NC, HALFP, D), jnp.float32),
        mesh=mesh,
        scratch_types=[
            pltpu.VMEM((KCH, CH), jnp.int32),
            pltpu.VMEM((CH, D), jnp.float32),
            pltpu.SemaphoreType.DMA,
            pltpu.VMEM_SHARED((HALFP, D), jnp.float32),
        ],
    )
    agg = pl.kernel(
        _agg_body,
        out_type=jax.ShapeDtypeStruct((NC, HALFP, D), jnp.float32),
        mesh=mesh,
        scratch_types=(
            [pltpu.VMEM((KCH, CH), jnp.int32),
             pltpu.VMEM((KCH, CH), jnp.int32)]
            + [pltpu.VMEM((CH, D), jnp.float32)] * NB
            + [pltpu.SemaphoreType.DMA] * (2 * NB)
            + [pltpu.VMEM_SHARED((HALFP, D), jnp.float32)]
        ),
    )
    return deg, agg


def _tc_a_body(hist_ref, x_ref, w_ref, dinv_ref, z_ref):
    counts = jnp.concatenate(
        [hist_ref[0, :HALF, :1], hist_ref[1, :HALF, :1]], axis=0)
    deg = counts + 1.0
    row = lax.broadcasted_iota(jnp.int32, (NPAD, 1), 0)
    dinv = jnp.where(row < N, lax.rsqrt(deg), 0.0)
    dinv_ref[...] = dinv
    z = jnp.dot(x_ref[...], w_ref[...], preferred_element_type=jnp.float32)
    z_ref[...] = z * dinv


_tc_a = pl.pallas_call(
    _tc_a_body,
    out_shape=(
        jax.ShapeDtypeStruct((NPAD, 1), jnp.float32),
        jax.ShapeDtypeStruct((NPAD, D), jnp.float32),
    ),
)


def _combine_bn_relu(p_ref, z_ref, dinv_ref, b_ref, g_ref, be_ref):
    dinv = dinv_ref[...]
    agg = jnp.concatenate([p_ref[0, :HALF], p_ref[1, :HALF]], axis=0)
    agg = agg + z_ref[...]
    pre = agg * dinv + b_ref[...]
    mask = lax.broadcasted_iota(jnp.int32, (NPAD, 1), 0) < N
    pre = jnp.where(mask, pre, 0.0)
    mean = jnp.sum(pre, axis=0, keepdims=True) * (1.0 / N)
    cent = jnp.where(mask, pre - mean, 0.0)
    var = jnp.sum(cent * cent, axis=0, keepdims=True) * (1.0 / N)
    h = g_ref[...] * cent * lax.rsqrt(var + EPS_BN) + be_ref[...]
    return jnp.maximum(h, 0.0)


def _tc_b_body(p_ref, z_ref, dinv_ref, b_ref, g_ref, be_ref, w_ref, z2_ref):
    h = _combine_bn_relu(p_ref, z_ref, dinv_ref, b_ref, g_ref, be_ref)
    z2 = jnp.dot(h, w_ref[...], preferred_element_type=jnp.float32)
    z2_ref[...] = z2 * dinv_ref[...]


_tc_b = pl.pallas_call(
    _tc_b_body,
    out_shape=jax.ShapeDtypeStruct((NPAD, D), jnp.float32),
)


def _tc_c_body(p_ref, z_ref, dinv_ref, b_ref, g_ref, be_ref, fair_ref,
               wl1a_ref, wl1b_ref, bl1_ref, wl2_ref, bl2_ref, out_ref):
    h = _combine_bn_relu(p_ref, z_ref, dinv_ref, b_ref, g_ref, be_ref)
    hl = jnp.dot(h, wl1a_ref[...], preferred_element_type=jnp.float32)
    hl = hl + jnp.dot(fair_ref[...], wl1b_ref[...],
                      preferred_element_type=jnp.float32)
    hl = jnp.maximum(hl + bl1_ref[...], 0.0)
    out = jnp.dot(hl, wl2_ref[...], preferred_element_type=jnp.float32)
    out_ref[...] = out + bl2_ref[...]


_tc_c = pl.pallas_call(
    _tc_c_body,
    out_shape=jax.ShapeDtypeStruct((NPAD, D_OUT), jnp.float32),
)


def kernel(x, adj_t, fair_node_embedding, W1, b1, g1, be1, W2, b2, g2, be2,
           Wl1, bl1, Wl2, bl2):
    src = adj_t[0].reshape(NS, EPT)
    dst = adj_t[1].reshape(NS, EPT)
    pad = jnp.full((NS, EPT_PAD - EPT), N, dtype=adj_t.dtype)
    src_p3 = jnp.concatenate([src, pad], axis=1).reshape(NS, KCH, CH)
    dst_p = jnp.concatenate([dst, pad], axis=1)
    spread = jax.lax.broadcasted_iota(jnp.int32, dst_p.shape, 1) % 64
    dloc = []
    for c in range(NC):
        d = dst_p - c * HALF
        dloc.append(jnp.where((d >= 0) & (d < HALF), d, TRASH + spread))
    dst_loc = jnp.stack(dloc).reshape(NC * NS, KCH, CH)

    x_pad = jnp.pad(x, ((0, NPAD - N), (0, 0)))
    fair_pad = jnp.pad(fair_node_embedding, ((0, NPAD - N), (0, 0)))
    zeros = jnp.zeros((HALFP, D), jnp.float32)
    ones = jnp.ones((CH, D), jnp.float32)

    deg_kernel, agg_kernel = _sc_kernels()
    hist = deg_kernel(dst_loc, ones, zeros)
    dinv, z1 = _tc_a(hist, x_pad, W1)
    p1 = agg_kernel(z1, src_p3, dst_loc, zeros)
    z2 = _tc_b(p1, z1, dinv, b1.reshape(1, D), g1.reshape(1, D),
               be1.reshape(1, D), W2)
    p2 = agg_kernel(z2, src_p3, dst_loc, zeros)
    out = _tc_c(p2, z2, dinv, b2.reshape(1, D), g2.reshape(1, D),
                be2.reshape(1, D), fair_pad, Wl1[:D], Wl1[D:],
                bl1.reshape(1, D), Wl2, bl2.reshape(1, D_OUT))
    return out[:N]

# --- scband reference (transcript-rebuilt; emitter-appended) ---
"""Pipeline reference for scband-fair-gcn-38113539785176 (READ-ONLY COPY).

The authoritative reference and input builder live on the scoring server;
editing this copy changes nothing except your own understanding.
"""

import jax, jax.numpy as jnp
import numpy as np

N = 10000
E = 320000
D_IN = 128
D_HID = 128
D_EMB = 64
D_OUT = 40
EPS_BN = 1e-5


def _glorot(key, shape):
    fan_in = shape[0]
    return (jax.random.normal(key, shape, dtype=jnp.float32) * (1.0 / np.sqrt(fan_in))).astype(jnp.float32)


def setup_inputs(seed: int = 0) -> dict:
    key = jax.random.key(seed)
    ks = jax.random.split(key, 16)
    x = jax.random.normal(ks[0], (N, D_IN), dtype=jnp.float32)
    adj_t = jax.random.randint(ks[1], (2, E), 0, N, dtype=jnp.int32)
    fair = jax.random.normal(ks[2], (N, D_EMB), dtype=jnp.float32)
    return {
        "x": x,
        "adj_t": adj_t,
        "fair_node_embedding": fair,
        "W1": _glorot(ks[3], (D_IN, D_HID)),
        "b1": jnp.zeros((D_HID,), dtype=jnp.float32),
        "g1": jnp.ones((D_HID,), dtype=jnp.float32),
        "be1": jnp.zeros((D_HID,), dtype=jnp.float32),
        "W2": _glorot(ks[4], (D_HID, D_HID)),
        "b2": jnp.zeros((D_HID,), dtype=jnp.float32),
        "g2": jnp.ones((D_HID,), dtype=jnp.float32),
        "be2": jnp.zeros((D_HID,), dtype=jnp.float32),
        "Wl1": _glorot(ks[5], (D_HID + D_EMB, D_HID)),
        "bl1": jnp.zeros((D_HID,), dtype=jnp.float32),
        "Wl2": _glorot(ks[6], (D_HID, D_OUT)),
        "bl2": jnp.zeros((D_OUT,), dtype=jnp.float32),
    }


def gcn_conv(x, edge_index, W, b):
    n = x.shape[0]
    loop = jnp.arange(n, dtype=edge_index.dtype)
    src = jnp.concatenate([edge_index[0], loop])
    dst = jnp.concatenate([edge_index[1], loop])
    deg = jnp.zeros((n,), dtype=x.dtype).at[dst].add(jnp.ones_like(src, dtype=x.dtype))
    dinv = jax.lax.rsqrt(jnp.maximum(deg, 1e-12))
    norm = dinv[src] * dinv[dst]
    xw = x @ W
    msg = jnp.take(xw, src, axis=0) * norm[:, None]
    out = jnp.zeros((n, W.shape[1]), dtype=x.dtype).at[dst].add(msg)
    return out + b


def batch_norm(x, gamma, beta):
    mean = jnp.mean(x, axis=0)
    var = jnp.var(x, axis=0)
    return gamma * (x - mean) * jax.lax.rsqrt(var + EPS_BN) + beta


def reference(x, adj_t, fair_node_embedding, W1, b1, g1, be1, W2, b2, g2, be2, Wl1, bl1, Wl2, bl2):
    h = gcn_conv(x, adj_t, W1, b1)
    h = batch_norm(h, g1, be1)
    h = jax.nn.relu(h)
    h = gcn_conv(h, adj_t, W2, b2)
    h = batch_norm(h, g2, be2)
    h = jax.nn.relu(h)
    h = jnp.concatenate([h, fair_node_embedding], axis=1)
    h = jax.nn.relu(h @ Wl1 + bl1)
    out = h @ Wl2 + bl2
    return out


if False:  # reference __main__ guard neutralized (emitter)
    inp = setup_inputs()
    o = reference(**inp)
    print(o.shape)

if __name__ == "__main__":
    import jax
    _d = setup_inputs()
    print(jax.jit(kernel)(*tuple(_d.values())))

</pallas_src>

<mosaic_0001>
#map = affine_map<(d0, d1) -> (0, 0)>
#map1 = affine_map<(d0, d1) -> (0, 0, 0)>
module attributes {stable_mosaic.version = 14 : i64} {
  func.func @_agg_body(%arg0: i32, %arg1: i32, %arg2: memref<10240x128xf32, #tpu.memory_space<hbm>>, %arg3: memref<16x160x128xi32, #tpu.memory_space<hbm>>, %arg4: memref<32x160x128xi32, #tpu.memory_space<hbm>>, %arg5: memref<5248x128xf32, #tpu.memory_space<hbm>>, %arg6: memref<2x5248x128xf32, #tpu.memory_space<hbm>>, %arg7: memref<160x128xi32, #tpu.memory_space<vmem>>, %arg8: memref<160x128xi32, #tpu.memory_space<vmem>>, %arg9: memref<128x128xf32, #tpu.memory_space<vmem>>, %arg10: memref<128x128xf32, #tpu.memory_space<vmem>>, %arg11: memref<!tpu.dma_semaphore, #tpu.memory_space<semaphore_mem>>, %arg12: memref<!tpu.dma_semaphore, #tpu.memory_space<semaphore_mem>>, %arg13: memref<!tpu.dma_semaphore, #tpu.memory_space<semaphore_mem>>, %arg14: memref<!tpu.dma_semaphore, #tpu.memory_space<semaphore_mem>>, %arg15: memref<5248x128xf32, #tpu.memory_space<vmem_shared>>) attributes {dimension_semantics = [#tpu.dimension_semantics<core_parallel>, #tpu.dimension_semantics<subcore_parallel>], iteration_bounds = array<i64: 2, 16>, scalar_prefetch = 0 : i64, scratch_operands = 9 : i64, tpu.core_type = #tpu.core_type<sc_vector_subcore>, window_params = [{transform_indices = #map}, {transform_indices = #map1}, {transform_indices = #map1}, {transform_indices = #map}, {transform_indices = #map1}]} {
    %mul3A = arith.constant 16 : i32
    %mul3A_0 = arith.muli %arg0, %mul3A : i32
    %add3A = arith.addi %mul3A_0, %arg1 : i32
    %mul3A_1 = arith.constant 328 : i32
    %mul3A_2 = arith.muli %arg1, %mul3A_1 : i32
    "tpu.region"() ({
      %run_scoped3A = tpu.sem_alloc : memref<!tpu.dma_semaphore, #tpu.memory_space<semaphore_mem>>
      %dma_start3A_35 = arith.constant 0 : i32
      %dma_start3A_36 = arith.constant 0 : i32
      %dma_start3A_37 = tpu.memref_slice %arg3[%arg1, %dma_start3A_35, %dma_start3A_36] : memref<16x160x128xi32, #tpu.memory_space<hbm>> -> memref<1x160x128xi32, #tpu.memory_space<hbm>>
      %dma_start3A_38 = tpu.memref_squeeze %dma_start3A_37 : memref<1x160x128xi32, #tpu.memory_space<hbm>> -> memref<160x128xi32, #tpu.memory_space<hbm>>
      %dma_start3A_39 = arith.constant 0 : i32
      %dma_start3A_40 = arith.constant 0 : i32
      %dma_start3A_41 = tpu.memref_slice %arg3[%arg1, %dma_start3A_39, %dma_start3A_40] : memref<16x160x128xi32, #tpu.memory_space<hbm>> -> memref<1x160x128xi32, #tpu.memory_space<hbm>>
      %dma_start3A_42 = tpu.memref_squeeze %dma_start3A_41 : memref<1x160x128xi32, #tpu.memory_space<hbm>> -> memref<160x128xi32, #tpu.memory_space<hbm>>
      tpu.enqueue_dma source(%dma_start3A_42 : memref<160x128xi32, #tpu.memory_space<hbm>>) target(%arg7 : memref<160x128xi32, #tpu.memory_space<vmem>>) target_semaphore(%run_scoped3A : memref<!tpu.dma_semaphore, #tpu.memory_space<semaphore_mem>>)
      %dma_wait3A_43 = arith.constant 0 : i32
      %dma_wait3A_44 = arith.constant 0 : i32
      %dma_wait3A_45 = tpu.memref_slice %arg3[%arg1, %dma_wait3A_43, %dma_wait3A_44] : memref<16x160x128xi32, #tpu.memory_space<hbm>> -> memref<1x160x128xi32, #tpu.memory_space<hbm>>
      %dma_wait3A_46 = tpu.memref_squeeze %dma_wait3A_45 : memref<1x160x128xi32, #tpu.memory_space<hbm>> -> memref<160x128xi32, #tpu.memory_space<hbm>>
      %dma_wait3A_47 = arith.constant 0 : i32
      %dma_wait3A_48 = arith.constant 0 : i32
      %dma_wait3A_49 = tpu.memref_slice %arg3[%arg1, %dma_wait3A_47, %dma_wait3A_48] : memref<16x160x128xi32, #tpu.memory_space<hbm>> -> memref<1x160x128xi32, #tpu.memory_space<hbm>>
      %dma_wait3A_50 = tpu.memref_squeeze %dma_wait3A_49 : memref<1x160x128xi32, #tpu.memory_space<hbm>> -> memref<160x128xi32, #tpu.memory_space<hbm>>
      tpu.wait_dma2 semaphore(%run_scoped3A : memref<!tpu.dma_semaphore, #tpu.memory_space<semaphore_mem>>) src(%dma_wait3A_50 : memref<160x128xi32, #tpu.memory_space<hbm>>) dst(%arg7 : memref<160x128xi32, #tpu.memory_space<vmem>>)
      tpu.yield
    }) : () -> ()
    "tpu.region"() ({
      %run_scoped3A = tpu.sem_alloc : memref<!tpu.dma_semaphore, #tpu.memory_space<semaphore_mem>>
      %dma_start3A_35 = arith.constant 0 : i32
      %dma_start3A_36 = arith.constant 0 : i32
      %dma_start3A_37 = tpu.memref_slice %arg4[%add3A, %dma_start3A_35, %dma_start3A_36] : memref<32x160x128xi32, #tpu.memory_space<hbm>> -> memref<1x160x128xi32, #tpu.memory_space<hbm>>
      %dma_start3A_38 = tpu.memref_squeeze %dma_start3A_37 : memref<1x160x128xi32, #tpu.memory_space<hbm>> -> memref<160x128xi32, #tpu.memory_space<hbm>>
      %dma_start3A_39 = arith.constant 0 : i32
      %dma_start3A_40 = arith.constant 0 : i32
      %dma_start3A_41 = tpu.memref_slice %arg4[%add3A, %dma_start3A_39, %dma_start3A_40] : memref<32x160x128xi32, #tpu.memory_space<hbm>> -> memref<1x160x128xi32, #tpu.memory_space<hbm>>
      %dma_start3A_42 = tpu.memref_squeeze %dma_start3A_41 : memref<1x160x128xi32, #tpu.memory_space<hbm>> -> memref<160x128xi32, #tpu.memory_space<hbm>>
      tpu.enqueue_dma source(%dma_start3A_42 : memref<160x128xi32, #tpu.memory_space<hbm>>) target(%arg8 : memref<160x128xi32, #tpu.memory_space<vmem>>) target_semaphore(%run_scoped3A : memref<!tpu.dma_semaphore, #tpu.memory_space<semaphore_mem>>)
      %dma_wait3A_43 = arith.constant 0 : i32
      %dma_wait3A_44 = arith.constant 0 : i32
      %dma_wait3A_45 = tpu.memref_slice %arg4[%add3A, %dma_wait3A_43, %dma_wait3A_44] : memref<32x160x128xi32, #tpu.memory_space<hbm>> -> memref<1x160x128xi32, #tpu.memory_space<hbm>>
      %dma_wait3A_46 = tpu.memref_squeeze %dma_wait3A_45 : memref<1x160x128xi32, #tpu.memory_space<hbm>> -> memref<160x128xi32, #tpu.memory_space<hbm>>
      %dma_wait3A_47 = arith.constant 0 : i32
      %dma_wait3A_48 = arith.constant 0 : i32
      %dma_wait3A_49 = tpu.memref_slice %arg4[%add3A, %dma_wait3A_47, %dma_wait3A_48] : memref<32x160x128xi32, #tpu.memory_space<hbm>> -> memref<1x160x128xi32, #tpu.memory_space<hbm>>
      %dma_wait3A_50 = tpu.memref_squeeze %dma_wait3A_49 : memref<1x160x128xi32, #tpu.memory_space<hbm>> -> memref<160x128xi32, #tpu.memory_space<hbm>>
      tpu.wait_dma2 semaphore(%run_scoped3A : memref<!tpu.dma_semaphore, #tpu.memory_space<semaphore_mem>>) src(%dma_wait3A_50 : memref<160x128xi32, #tpu.memory_space<hbm>>) dst(%arg8 : memref<160x128xi32, #tpu.memory_space<vmem>>)
      tpu.yield
    }) : () -> ()
    "tpu.region"() ({
      %run_scoped3A = tpu.sem_alloc : memref<!tpu.dma_semaphore, #tpu.memory_space<semaphore_mem>>
      %dma_start3A_35 = arith.constant 0 : i32
      %dma_start3A_36 = tpu.memref_slice %arg15[%mul3A_2, %dma_start3A_35] : memref<5248x128xf32, #tpu.memory_space<vmem_shared>> -> memref<328x128xf32, #tpu.memory_space<vmem_shared>>
      %dma_start3A_37 = arith.constant 0 : i32
      %dma_start3A_38 = tpu.memref_slice %arg5[%mul3A_2, %dma_start3A_37] : memref<5248x128xf32, #tpu.memory_space<hbm>> -> memref<328x128xf32, #tpu.memory_space<hbm>>
      tpu.enqueue_dma source(%dma_start3A_38 : memref<328x128xf32, #tpu.memory_space<hbm>>) target(%dma_start3A_36 : memref<328x128xf32, #tpu.memory_space<vmem_shared>>) target_semaphore(%run_scoped3A : memref<!tpu.dma_semaphore, #tpu.memory_space<semaphore_mem>>)
      %dma_wait3A_39 = arith.constant 0 : i32
      %dma_wait3A_40 = tpu.memref_slice %arg15[%mul3A_2, %dma_wait3A_39] : memref<5248x128xf32, #tpu.memory_space<vmem_shared>> -> memref<328x128xf32, #tpu.memory_space<vmem_shared>>
      %dma_wait3A_41 = arith.constant 0 : i32
      %dma_wait3A_42 = tpu.memref_slice %arg5[%mul3A_2, %dma_wait3A_41] : memref<5248x128xf32, #tpu.memory_space<hbm>> -> memref<328x128xf32, #tpu.memory_space<hbm>>
      tpu.wait_dma2 semaphore(%run_scoped3A : memref<!tpu.dma_semaphore, #tpu.memory_space<semaphore_mem>>) src(%dma_wait3A_42 : memref<328x128xf32, #tpu.memory_space<hbm>>) dst(%dma_wait3A_40 : memref<328x128xf32, #tpu.memory_space<vmem_shared>>)
      tpu.yield
    }) : () -> ()
    %barrier3A = arith.constant 0 : index
    tpu.barrier barrier_id(%barrier3A)
    %dma_start3A = arith.constant 0 : i32
    %dma_start3A_3 = arith.constant 0 : i32
    %dma_start3A_4 = tpu.memref_slice %arg7[%dma_start3A, %dma_start3A_3] : memref<160x128xi32, #tpu.memory_space<vmem>> -> memref<1x128xi32, #tpu.memory_space<vmem>>
    %dma_start3A_5 = tpu.memref_squeeze %dma_start3A_4 : memref<1x128xi32, #tpu.memory_space<vmem>> -> memref<128xi32, #tpu.memory_space<vmem>>
    %dma_start3A_6 = arith.constant 0 : i32
    %dma_start3A_7 = arith.constant 0 : i32
    %dma_start3A_8 = tpu.memref_slice %arg2[%dma_start3A_6, %dma_start3A_7] : memref<10240x128xf32, #tpu.memory_space<hbm>> -> memref<10240x128xf32, #tpu.memory_space<hbm>>
    tpu.enqueue_indirect_dma source(%dma_start3A_8 : memref<10240x128xf32, #tpu.memory_space<hbm>>) target(%arg9 : memref<128x128xf32, #tpu.memory_space<vmem>>) offsets(%dma_start3A_5 : memref<128xi32, #tpu.memory_space<vmem>>) semaphore(%arg11 : memref<!tpu.dma_semaphore, #tpu.memory_space<semaphore_mem>>)
    %dma_start3A_9 = arith.constant 1 : i32
    %dma_start3A_10 = arith.constant 0 : i32
    %dma_start3A_11 = tpu.memref_slice %arg7[%dma_start3A_9, %dma_start3A_10] : memref<160x128xi32, #tpu.memory_space<vmem>> -> memref<1x128xi32, #tpu.memory_space<vmem>>
    %dma_start3A_12 = tpu.memref_squeeze %dma_start3A_11 : memref<1x128xi32, #tpu.memory_space<vmem>> -> memref<128xi32, #tpu.memory_space<vmem>>
    %dma_start3A_13 = arith.constant 0 : i32
    %dma_start3A_14 = arith.constant 0 : i32
    %dma_start3A_15 = tpu.memref_slice %arg2[%dma_start3A_13, %dma_start3A_14] : memref<10240x128xf32, #tpu.memory_space<hbm>> -> memref<10240x128xf32, #tpu.memory_space<hbm>>
    tpu.enqueue_indirect_dma source(%dma_start3A_15 : memref<10240x128xf32, #tpu.memory_space<hbm>>) target(%arg10 : memref<128x128xf32, #tpu.memory_space<vmem>>) offsets(%dma_start3A_12 : memref<128xi32, #tpu.memory_space<vmem>>) semaphore(%arg12 : memref<!tpu.dma_semaphore, #tpu.memory_space<semaphore_mem>>)
    %scan3A = arith.constant 0 : i32
    %scan3A_16 = arith.constant 0 : i32
    %scan3A_17 = arith.constant 80 : i32
    %scan3A_18 = arith.addi %scan3A_16, %scan3A_17 : i32
    %scan3A_19 = arith.constant 1 : i32
    scf.for %scan3A_35 = %scan3A_16 to %scan3A_18 step %scan3A_19  : i32 {
      %mul3A_36 = arith.constant 2 : i32
      %mul3A_37 = arith.muli %scan3A_35, %mul3A_36 : i32
      %add3A_38 = arith.constant 0 : i32
      %add3A_39 = arith.addi %mul3A_37, %add3A_38 : i32
      %dma_wait3A_40 = arith.constant 0 : i32
      %dma_wait3A_41 = arith.constant 0 : i32
      %dma_wait3A_42 = tpu.memref_slice %arg7[%dma_wait3A_40, %dma_wait3A_41] : memref<160x128xi32, #tpu.memory_space<vmem>> -> memref<1x128xi32, #tpu.memory_space<vmem>>
      %dma_wait3A_43 = tpu.memref_squeeze %dma_wait3A_42 : memref<1x128xi32, #tpu.memory_space<vmem>> -> memref<128xi32, #tpu.memory_space<vmem>>
      %dma_wait3A_44 = arith.constant 0 : i32
      %dma_wait3A_45 = arith.constant 0 : i32
      %dma_wait3A_46 = tpu.memref_slice %arg2[%dma_wait3A_44, %dma_wait3A_45] : memref<10240x128xf32, #tpu.memory_space<hbm>> -> memref<10240x128xf32, #tpu.memory_space<hbm>>
      tpu.wait_indirect_dma semaphore(%arg11 : memref<!tpu.dma_semaphore, #tpu.memory_space<semaphore_mem>>) src(%dma_wait3A_46 : memref<10240x128xf32, #tpu.memory_space<hbm>>) dst(%arg9 : memref<128x128xf32, #tpu.memory_space<vmem>>)
      %dma_start3A_47 = arith.constant 0 : i32
      %dma_start3A_48 = tpu.memref_slice %arg8[%add3A_39, %dma_start3A_47] : memref<160x128xi32, #tpu.memory_space<vmem>> -> memref<1x128xi32, #tpu.memory_space<vmem>>
      %dma_start3A_49 = tpu.memref_squeeze %dma_start3A_48 : memref<1x128xi32, #tpu.memory_space<vmem>> -> memref<128xi32, #tpu.memory_space<vmem>>
      %dma_start3A_50 = arith.constant 0 : i32
      %dma_start3A_51 = arith.constant 0 : i32
      %dma_start3A_52 = tpu.memref_slice %arg15[%dma_start3A_50, %dma_start3A_51] : memref<5248x128xf32, #tpu.memory_space<vmem_shared>> -> memref<5248x128xf32, #tpu.memory_space<vmem_shared>>
      tpu.enqueue_indirect_dma source(%arg9 : memref<128x128xf32, #tpu.memory_space<vmem>>) target(%dma_start3A_52 : memref<5248x128xf32, #tpu.memory_space<vmem_shared>>) offsets(%dma_start3A_49 : memref<128xi32, #tpu.memory_space<vmem>>) semaphore(%arg13 : memref<!tpu.dma_semaphore, #tpu.memory_space<semaphore_mem>>) {add = true}
      %add3A_53 = arith.constant 1 : i32
      %add3A_54 = arith.addi %mul3A_37, %add3A_53 : i32
      %dma_wait3A_55 = arith.constant 0 : i32
      %dma_wait3A_56 = arith.constant 0 : i32
      %dma_wait3A_57 = tpu.memref_slice %arg7[%dma_wait3A_55, %dma_wait3A_56] : memref<160x128xi32, #tpu.memory_space<vmem>> -> memref<1x128xi32, #tpu.memory_space<vmem>>
      %dma_wait3A_58 = tpu.memref_squeeze %dma_wait3A_57 : memref<1x128xi32, #tpu.memory_space<vmem>> -> memref<128xi32, #tpu.memory_space<vmem>>
      %dma_wait3A_59 = arith.constant 0 : i32
      %dma_wait3A_60 = arith.constant 0 : i32
      %dma_wait3A_61 = tpu.memref_slice %arg2[%dma_wait3A_59, %dma_wait3A_60] : memref<10240x128xf32, #tpu.memory_space<hbm>> -> memref<10240x128xf32, #tpu.memory_space<hbm>>
      tpu.wait_indirect_dma semaphore(%arg12 : memref<!tpu.dma_semaphore, #tpu.memory_space<semaphore_mem>>) src(%dma_wait3A_61 : memref<10240x128xf32, #tpu.memory_space<hbm>>) dst(%arg10 : memref<128x128xf32, #tpu.memory_space<vmem>>)
      %dma_start3A_62 = arith.constant 0 : i32
      %dma_start3A_63 = tpu.memref_slice %arg8[%add3A_54, %dma_start3A_62] : memref<160x128xi32, #tpu.memory_space<vmem>> -> memref<1x128xi32, #tpu.memory_space<vmem>>
      %dma_start3A_64 = tpu.memref_squeeze %dma_start3A_63 : memref<1x128xi32, #tpu.memory_space<vmem>> -> memref<128xi32, #tpu.memory_space<vmem>>
      %dma_start3A_65 = arith.constant 0 : i32
      %dma_start3A_66 = arith.constant 0 : i32
      %dma_start3A_67 = tpu.memref_slice %arg15[%dma_start3A_65, %dma_start3A_66] : memref<5248x128xf32, #tpu.memory_space<vmem_shared>> -> memref<5248x128xf32, #tpu.memory_space<vmem_shared>>
      tpu.enqueue_indirect_dma source(%arg10 : memref<128x128xf32, #tpu.memory_space<vmem>>) target(%dma_start3A_67 : memref<5248x128xf32, #tpu.memory_space<vmem_shared>>) offsets(%dma_start3A_64 : memref<128xi32, #tpu.memory_space<vmem>>) semaphore(%arg14 : memref<!tpu.dma_semaphore, #tpu.memory_space<semaphore_mem>>) {add = true}
      %add3A_68 = arith.constant 0 : i32
      %add3A_69 = arith.addi %mul3A_37, %add3A_68 : i32
      %add3A_70 = arith.constant 2 : i32
      %add3A_71 = arith.addi %add3A_69, %add3A_70 : i32
      %lt3A = arith.constant 160 : i32
      %lt3A_72 = arith.cmpi slt, %add3A_71, %lt3A : i32
      %convert_element_type3A = arith.extui %lt3A_72 : i1 to i32
      %cond3A = arith.constant 0 : i32
      %cond3A_73 = arith.cmpi ne, %convert_element_type3A, %cond3A : i32
      scf.if %cond3A_73 {
        %dma_wait3A_83 = arith.constant 0 : i32
        %dma_wait3A_84 = arith.constant 0 : i32
        %dma_wait3A_85 = tpu.memref_slice %arg8[%dma_wait3A_83, %dma_wait3A_84] : memref<160x128xi32, #tpu.memory_space<vmem>> -> memref<1x128xi32, #tpu.memory_space<vmem>>
        %dma_wait3A_86 = tpu.memref_squeeze %dma_wait3A_85 : memref<1x128xi32, #tpu.memory_space<vmem>> -> memref<128xi32, #tpu.memory_space<vmem>>
        %dma_wait3A_87 = arith.constant 0 : i32
        %dma_wait3A_88 = arith.constant 0 : i32
        %dma_wait3A_89 = tpu.memref_slice %arg15[%dma_wait3A_87, %dma_wait3A_88] : memref<5248x128xf32, #tpu.memory_space<vmem_shared>> -> memref<5248x128xf32, #tpu.memory_space<vmem_shared>>
        tpu.wait_indirect_dma semaphore(%arg13 : memref<!tpu.dma_semaphore, #tpu.memory_space<semaphore_mem>>) src(%arg9 : memref<128x128xf32, #tpu.memory_space<vmem>>) dst(%dma_wait3A_89 : memref<5248x128xf32, #tpu.memory_space<vmem_shared>>)
        %add3A_90 = arith.constant 2 : i32
        %add3A_91 = arith.addi %add3A_69, %add3A_90 : i32
        %dma_start3A_92 = arith.constant 0 : i32
        %dma_start3A_93 = tpu.memref_slice %arg7[%add3A_91, %dma_start3A_92] : memref<160x128xi32, #tpu.memory_space<vmem>> -> memref<1x128xi32, #tpu.memory_space<vmem>>
        %dma_start3A_94 = tpu.memref_squeeze %dma_start3A_93 : memref<1x128xi32, #tpu.memory_space<vmem>> -> memref<128xi32, #tpu.memory_space<vmem>>
        %dma_start3A_95 = arith.constant 0 : i32
        %dma_start3A_96 = arith.constant 0 : i32
        %dma_start3A_97 = tpu.memref_slice %arg2[%dma_start3A_95, %dma_start3A_96] : memref<10240x128xf32, #tpu.memory_space<hbm>> -> memref<10240x128xf32, #tpu.memory_space<hbm>>
        tpu.enqueue_indirect_dma source(%dma_start3A_97 : memref<10240x128xf32, #tpu.memory_space<hbm>>) target(%arg9 : memref<128x128xf32, #tpu.memory_space<vmem>>) offsets(%dma_start3A_94 : memref<128xi32, #tpu.memory_space<vmem>>) semaphore(%arg11 : memref<!tpu.dma_semaphore, #tpu.memory_space<semaphore_mem>>)
      } else {
      }
      %add3A_74 = arith.constant 1 : i32
      %add3A_75 = arith.addi %mul3A_37, %add3A_74 : i32
      %add3A_76 = arith.constant 2 : i32
      %add3A_77 = arith.addi %add3A_75, %add3A_76 : i32
      %lt3A_78 = arith.constant 160 : i32
      %lt3A_79 = arith.cmpi slt, %add3A_77, %lt3A_78 : i32
      %convert_element_type3A_80 = arith.extui %lt3A_79 : i1 to i32
      %cond3A_81 = arith.constant 0 : i32
      %cond3A_82 = arith.cmpi ne, %convert_element_type3A_80, %cond3A_81 : i32
      scf.if %cond3A_82 {
        %dma_wait3A_83 = arith.constant 0 : i32
        %dma_wait3A_84 = arith.constant 0 : i32
        %dma_wait3A_85 = tpu.memref_slice %arg8[%dma_wait3A_83, %dma_wait3A_84] : memref<160x128xi32, #tpu.memory_space<vmem>> -> memref<1x128xi32, #tpu.memory_space<vmem>>
        %dma_wait3A_86 = tpu.memref_squeeze %dma_wait3A_85 : memref<1x128xi32, #tpu.memory_space<vmem>> -> memref<128xi32, #tpu.memory_space<vmem>>
        %dma_wait3A_87 = arith.constant 0 : i32
        %dma_wait3A_88 = arith.constant 0 : i32
        %dma_wait3A_89 = tpu.memref_slice %arg15[%dma_wait3A_87, %dma_wait3A_88] : memref<5248x128xf32, #tpu.memory_space<vmem_shared>> -> memref<5248x128xf32, #tpu.memory_space<vmem_shared>>
        tpu.wait_indirect_dma semaphore(%arg14 : memref<!tpu.dma_semaphore, #tpu.memory_space<semaphore_mem>>) src(%arg10 : memref<128x128xf32, #tpu.memory_space<vmem>>) dst(%dma_wait3A_89 : memref<5248x128xf32, #tpu.memory_space<vmem_shared>>)
        %add3A_90 = arith.constant 2 : i32
        %add3A_91 = arith.addi %add3A_75, %add3A_90 : i32
        %dma_start3A_92 = arith.constant 0 : i32
        %dma_start3A_93 = tpu.memref_slice %arg7[%add3A_91, %dma_start3A_92] : memref<160x128xi32, #tpu.memory_space<vmem>> -> memref<1x128xi32, #tpu.memory_space<vmem>>
        %dma_start3A_94 = tpu.memref_squeeze %dma_start3A_93 : memref<1x128xi32, #tpu.memory_space<vmem>> -> memref<128xi32, #tpu.memory_space<vmem>>
        %dma_start3A_95 = arith.constant 0 : i32
        %dma_start3A_96 = arith.constant 0 : i32
        %dma_start3A_97 = tpu.memref_slice %arg2[%dma_start3A_95, %dma_start3A_96] : memref<10240x128xf32, #tpu.memory_space<hbm>> -> memref<10240x128xf32, #tpu.memory_space<hbm>>
        tpu.enqueue_indirect_dma source(%dma_start3A_97 : memref<10240x128xf32, #tpu.memory_space<hbm>>) target(%arg10 : memref<128x128xf32, #tpu.memory_space<vmem>>) offsets(%dma_start3A_94 : memref<128xi32, #tpu.memory_space<vmem>>) semaphore(%arg12 : memref<!tpu.dma_semaphore, #tpu.memory_space<semaphore_mem>>)
      } else {
      }
    }
    %scan3A_20 = arith.constant 80 : i32
    %dma_wait3A = arith.constant 0 : i32
    %dma_wait3A_21 = arith.constant 0 : i32
    %dma_wait3A_22 = tpu.memref_slice %arg8[%dma_wait3A, %dma_wait3A_21] : memref<160x128xi32, #tpu.memory_space<vmem>> -> memref<1x128xi32, #tpu.memory_space<vmem>>
    %dma_wait3A_23 = tpu.memref_squeeze %dma_wait3A_22 : memref<1x128xi32, #tpu.memory_space<vmem>> -> memref<128xi32, #tpu.memory_space<vmem>>
    %dma_wait3A_24 = arith.constant 0 : i32
    %dma_wait3A_25 = arith.constant 0 : i32
    %dma_wait3A_26 = tpu.memref_slice %arg15[%dma_wait3A_24, %dma_wait3A_25] : memref<5248x128xf32, #tpu.memory_space<vmem_shared>> -> memref<5248x128xf32, #tpu.memory_space<vmem_shared>>
    tpu.wait_indirect_dma semaphore(%arg13 : memref<!tpu.dma_semaphore, #tpu.memory_space<semaphore_mem>>) src(%arg9 : memref<128x128xf32, #tpu.memory_space<vmem>>) dst(%dma_wait3A_26 : memref<5248x128xf32, #tpu.memory_space<vmem_shared>>)
    %dma_wait3A_27 = arith.constant 0 : i32
    %dma_wait3A_28 = arith.constant 0 : i32
    %dma_wait3A_29 = tpu.memref_slice %arg8[%dma_wait3A_27, %dma_wait3A_28] : memref<160x128xi32, #tpu.memory_space<vmem>> -> memref<1x128xi32, #tpu.memory_space<vmem>>
    %dma_wait3A_30 = tpu.memref_squeeze %dma_wait3A_29 : memref<1x128xi32, #tpu.memory_space<vmem>> -> memref<128xi32, #tpu.memory_space<vmem>>
    %dma_wait3A_31 = arith.constant 0 : i32
    %dma_wait3A_32 = arith.constant 0 : i32
    %dma_wait3A_33 = tpu.memref_slice %arg15[%dma_wait3A_31, %dma_wait3A_32] : memref<5248x128xf32, #tpu.memory_space<vmem_shared>> -> memref<5248x128xf32, #tpu.memory_space<vmem_shared>>
    tpu.wait_indirect_dma semaphore(%arg14 : memref<!tpu.dma_semaphore, #tpu.memory_space<semaphore_mem>>) src(%arg10 : memref<128x128xf32, #tpu.memory_space<vmem>>) dst(%dma_wait3A_33 : memref<5248x128xf32, #tpu.memory_space<vmem_shared>>)
    %barrier3A_34 = arith.constant 0 : index
    tpu.barrier barrier_id(%barrier3A_34)
    "tpu.region"() ({
      %run_scoped3A = tpu.sem_alloc : memref<!tpu.dma_semaphore, #tpu.memory_space<semaphore_mem>>
      %dma_start3A_35 = arith.constant 0 : i32
      %dma_start3A_36 = arith.constant 0 : i32
      %dma_start3A_37 = tpu.memref_slice %arg6[%arg0, %dma_start3A_35, %dma_start3A_36] : memref<2x5248x128xf32, #tpu.memory_space<hbm>> -> memref<1x5248x128xf32, #tpu.memory_space<hbm>>
      %dma_start3A_38 = tpu.memref_squeeze %dma_start3A_37 : memref<1x5248x128xf32, #tpu.memory_space<hbm>> -> memref<5248x128xf32, #tpu.memory_space<hbm>>
      %dma_start3A_39 = arith.constant 0 : i32
      %dma_start3A_40 = tpu.memref_slice %dma_start3A_38[%mul3A_2, %dma_start3A_39] : memref<5248x128xf32, #tpu.memory_space<hbm>> -> memref<328x128xf32, #tpu.memory_space<hbm>>
      %dma_start3A_41 = arith.constant 0 : i32
      %dma_start3A_42 = tpu.memref_slice %arg15[%mul3A_2, %dma_start3A_41] : memref<5248x128xf32, #tpu.memory_space<vmem_shared>> -> memref<328x128xf32, #tpu.memory_space<vmem_shared>>
      tpu.enqueue_dma source(%dma_start3A_42 : memref<328x128xf32, #tpu.memory_space<vmem_shared>>) target(%dma_start3A_40 : memref<328x128xf32, #tpu.memory_space<hbm>>) target_semaphore(%run_scoped3A : memref<!tpu.dma_semaphore, #tpu.memory_space<semaphore_mem>>)
      %dma_wait3A_43 = arith.constant 0 : i32
      %dma_wait3A_44 = arith.constant 0 : i32
      %dma_wait3A_45 = tpu.memref_slice %arg6[%arg0, %dma_wait3A_43, %dma_wait3A_44] : memref<2x5248x128xf32, #tpu.memory_space<hbm>> -> memref<1x5248x128xf32, #tpu.memory_space<hbm>>
      %dma_wait3A_46 = tpu.memref_squeeze %dma_wait3A_45 : memref<1x5248x128xf32, #tpu.memory_space<hbm>> -> memref<5248x128xf32, #tpu.memory_space<hbm>>
      %dma_wait3A_47 = arith.constant 0 : i32
      %dma_wait3A_48 = tpu.memref_slice %dma_wait3A_46[%mul3A_2, %dma_wait3A_47] : memref<5248x128xf32, #tpu.memory_space<hbm>> -> memref<328x128xf32, #tpu.memory_space<hbm>>
      %dma_wait3A_49 = arith.constant 0 : i32
      %dma_wait3A_50 = tpu.memref_slice %arg15[%mul3A_2, %dma_wait3A_49] : memref<5248x128xf32, #tpu.memory_space<vmem_shared>> -> memref<328x128xf32, #tpu.memory_space<vmem_shared>>
      tpu.wait_dma2 semaphore(%run_scoped3A : memref<!tpu.dma_semaphore, #tpu.memory_space<semaphore_mem>>) src(%dma_wait3A_50 : memref<328x128xf32, #tpu.memory_space<vmem_shared>>) dst(%dma_wait3A_48 : memref<328x128xf32, #tpu.memory_space<hbm>>)
      tpu.yield
    }) : () -> ()
    return
  }
}

#map = affine_map<(d0, d1) -> (0, 0, 0)>
#map1 = affine_map<(d0, d1) -> (0, 0)>
module attributes {stable_mosaic.version = 14 : i64} {
  func.func @_deg_body(%arg0: i32, %arg1: i32, %arg2: memref<32x160x128xi32, #tpu.memory_space<hbm>>, %arg3: memref<128x128xf32, #tpu.memory_space<hbm>>, %arg4: memref<5248x128xf32, #tpu.memory_space<hbm>>, %arg5: memref<2x5248x128xf32, #tpu.memory_space<hbm>>, %arg6: memref<160x128xi32, #tpu.memory_space<vmem>>, %arg7: memref<128x128xf32, #tpu.memory_space<vmem>>, %arg8: memref<!tpu.dma_semaphore, #tpu.memory_space<semaphore_mem>>, %arg9: memref<5248x128xf32, #tpu.memory_space<vmem_shared>>) attributes {dimension_semantics = [#tpu.dimension_semantics<core_parallel>, #tpu.dimension_semantics<subcore_parallel>], iteration_bounds = array<i64: 2, 16>, scalar_prefetch = 0 : i64, scratch_operands = 4 : i64, tpu.core_type = #tpu.core_type<sc_vector_subcore>, window_params = [{transform_indices = #map}, {transform_indices = #map1}, {transform_indices = #map1}, {transform_indices = #map}]} {
    %mul3A = arith.constant 16 : i32
    %mul3A_0 = arith.muli %arg0, %mul3A : i32
    %add3A = arith.addi %mul3A_0, %arg1 : i32
    %mul3A_1 = arith.constant 328 : i32
    %mul3A_2 = arith.muli %arg1, %mul3A_1 : i32
    "tpu.region"() ({
      %run_scoped3A = tpu.sem_alloc : memref<!tpu.dma_semaphore, #tpu.memory_space<semaphore_mem>>
      %dma_start3A_36 = arith.constant 0 : i32
      %dma_start3A_37 = arith.constant 0 : i32
      %dma_start3A_38 = tpu.memref_slice %arg2[%add3A, %dma_start3A_36, %dma_start3A_37] : memref<32x160x128xi32, #tpu.memory_space<hbm>> -> memref<1x160x128xi32, #tpu.memory_space<hbm>>
      %dma_start3A_39 = tpu.memref_squeeze %dma_start3A_38 : memref<1x160x128xi32, #tpu.memory_space<hbm>> -> memref<160x128xi32, #tpu.memory_space<hbm>>
      %dma_start3A_40 = arith.constant 0 : i32
      %dma_start3A_41 = arith.constant 0 : i32
      %dma_start3A_42 = tpu.memref_slice %arg2[%add3A, %dma_start3A_40, %dma_start3A_41] : memref<32x160x128xi32, #tpu.memory_space<hbm>> -> memref<1x160x128xi32, #tpu.memory_space<hbm>>
      %dma_start3A_43 = tpu.memref_squeeze %dma_start3A_42 : memref<1x160x128xi32, #tpu.memory_space<hbm>> -> memref<160x128xi32, #tpu.memory_space<hbm>>
      tpu.enqueue_dma source(%dma_start3A_43 : memref<160x128xi32, #tpu.memory_space<hbm>>) target(%arg6 : memref<160x128xi32, #tpu.memory_space<vmem>>) target_semaphore(%run_scoped3A : memref<!tpu.dma_semaphore, #tpu.memory_space<semaphore_mem>>)
      %dma_wait3A = arith.constant 0 : i32
      %dma_wait3A_44 = arith.constant 0 : i32
      %dma_wait3A_45 = tpu.memref_slice %arg2[%add3A, %dma_wait3A, %dma_wait3A_44] : memref<32x160x128xi32, #tpu.memory_space<hbm>> -> memref<1x160x128xi32, #tpu.memory_space<hbm>>
      %dma_wait3A_46 = tpu.memref_squeeze %dma_wait3A_45 : memref<1x160x128xi32, #tpu.memory_space<hbm>> -> memref<160x128xi32, #tpu.memory_space<hbm>>
      %dma_wait3A_47 = arith.constant 0 : i32
      %dma_wait3A_48 = arith.constant 0 : i32
      %dma_wait3A_49 = tpu.memref_slice %arg2[%add3A, %dma_wait3A_47, %dma_wait3A_48] : memref<32x160x128xi32, #tpu.memory_space<hbm>> -> memref<1x160x128xi32, #tpu.memory_space<hbm>>
      %dma_wait3A_50 = tpu.memref_squeeze %dma_wait3A_49 : memref<1x160x128xi32, #tpu.memory_space<hbm>> -> memref<160x128xi32, #tpu.memory_space<hbm>>
      tpu.wait_dma2 semaphore(%run_scoped3A : memref<!tpu.dma_semaphore, #tpu.memory_space<semaphore_mem>>) src(%dma_wait3A_50 : memref<160x128xi32, #tpu.memory_space<hbm>>) dst(%arg6 : memref<160x128xi32, #tpu.memory_space<vmem>>)
      tpu.yield
    }) : () -> ()
    "tpu.region"() ({
      %run_scoped3A = tpu.sem_alloc : memref<!tpu.dma_semaphore, #tpu.memory_space<semaphore_mem>>
      tpu.enqueue_dma source(%arg3 : memref<128x128xf32, #tpu.memory_space<hbm>>) target(%arg7 : memref<128x128xf32, #tpu.memory_space<vmem>>) target_semaphore(%run_scoped3A : memref<!tpu.dma_semaphore, #tpu.memory_space<semaphore_mem>>)
      tpu.wait_dma2 semaphore(%run_scoped3A : memref<!tpu.dma_semaphore, #tpu.memory_space<semaphore_mem>>) src(%arg3 : memref<128x128xf32, #tpu.memory_space<hbm>>) dst(%arg7 : memref<128x128xf32, #tpu.memory_space<vmem>>)
      tpu.yield
    }) : () -> ()
    "tpu.region"() ({
      %run_scoped3A = tpu.sem_alloc : memref<!tpu.dma_semaphore, #tpu.memory_space<semaphore_mem>>
      %dma_start3A_36 = arith.constant 0 : i32
      %dma_start3A_37 = tpu.memref_slice %arg9[%mul3A_2, %dma_start3A_36] : memref<5248x128xf32, #tpu.memory_space<vmem_shared>> -> memref<328x128xf32, #tpu.memory_space<vmem_shared>>
      %dma_start3A_38 = arith.constant 0 : i32
      %dma_start3A_39 = tpu.memref_slice %arg4[%mul3A_2, %dma_start3A_38] : memref<5248x128xf32, #tpu.memory_space<hbm>> -> memref<328x128xf32, #tpu.memory_space<hbm>>
      tpu.enqueue_dma source(%dma_start3A_39 : memref<328x128xf32, #tpu.memory_space<hbm>>) target(%dma_start3A_37 : memref<328x128xf32, #tpu.memory_space<vmem_shared>>) target_semaphore(%run_scoped3A : memref<!tpu.dma_semaphore, #tpu.memory_space<semaphore_mem>>)
      %dma_wait3A = arith.constant 0 : i32
      %dma_wait3A_40 = tpu.memref_slice %arg9[%mul3A_2, %dma_wait3A] : memref<5248x128xf32, #tpu.memory_space<vmem_shared>> -> memref<328x128xf32, #tpu.memory_space<vmem_shared>>
      %dma_wait3A_41 = arith.constant 0 : i32
      %dma_wait3A_42 = tpu.memref_slice %arg4[%mul3A_2, %dma_wait3A_41] : memref<5248x128xf32, #tpu.memory_space<hbm>> -> memref<328x128xf32, #tpu.memory_space<hbm>>
      tpu.wait_dma2 semaphore(%run_scoped3A : memref<!tpu.dma_semaphore, #tpu.memory_space<semaphore_mem>>) src(%dma_wait3A_42 : memref<328x128xf32, #tpu.memory_space<hbm>>) dst(%dma_wait3A_40 : memref<328x128xf32, #tpu.memory_space<vmem_shared>>)
      tpu.yield
    }) : () -> ()
    %barrier3A = arith.constant 0 : index
    tpu.barrier barrier_id(%barrier3A)
    %dma_start3A = arith.constant 0 : i32
    %dma_start3A_3 = arith.constant 0 : i32
    %dma_start3A_4 = tpu.memref_slice %arg6[%dma_start3A, %dma_start3A_3] : memref<160x128xi32, #tpu.memory_space<vmem>> -> memref<1x128xi32, #tpu.memory_space<vmem>>
    %dma_start3A_5 = tpu.memref_squeeze %dma_start3A_4 : memref<1x128xi32, #tpu.memory_space<vmem>> -> memref<128xi32, #tpu.memory_space<vmem>>
    %dma_start3A_6 = arith.constant 0 : i32
    %dma_start3A_7 = arith.constant 0 : i32
    %dma_start3A_8 = tpu.memref_slice %arg9[%dma_start3A_6, %dma_start3A_7] : memref<5248x128xf32, #tpu.memory_space<vmem_shared>> -> memref<5248x128xf32, #tpu.memory_space<vmem_shared>>
    tpu.enqueue_indirect_dma source(%arg7 : memref<128x128xf32, #tpu.memory_space<vmem>>) target(%dma_start3A_8 : memref<5248x128xf32, #tpu.memory_space<vmem_shared>>) offsets(%dma_start3A_5 : memref<128xi32, #tpu.memory_space<vmem>>) semaphore(%arg8 : memref<!tpu.dma_semaphore, #tpu.memory_space<semaphore_mem>>) {add = true}
    %dma_start3A_9 = arith.constant 1 : i32
    %dma_start3A_10 = arith.constant 0 : i32
    %dma_start3A_11 = tpu.memref_slice %arg6[%dma_start3A_9, %dma_start3A_10] : memref<160x128xi32, #tpu.memory_space<vmem>> -> memref<1x128xi32, #tpu.memory_space<vmem>>
    %dma_start3A_12 = tpu.memref_squeeze %dma_start3A_11 : memref<1x128xi32, #tpu.memory_space<vmem>> -> memref<128xi32, #tpu.memory_space<vmem>>
    %dma_start3A_13 = arith.constant 0 : i32
    %dma_start3A_14 = arith.constant 0 : i32
    %dma_start3A_15 = tpu.memref_slice %arg9[%dma_start3A_13, %dma_start3A_14] : memref<5248x128xf32, #tpu.memory_space<vmem_shared>> -> memref<5248x128xf32, #tpu.memory_space<vmem_shared>>
    tpu.enqueue_indirect_dma source(%arg7 : memref<128x128xf32, #tpu.memory_space<vmem>>) target(%dma_start3A_15 : memref<5248x128xf32, #tpu.memory_space<vmem_shared>>) offsets(%dma_start3A_12 : memref<128xi32, #tpu.memory_space<vmem>>) semaphore(%arg8 : memref<!tpu.dma_semaphore, #tpu.memory_space<semaphore_mem>>) {add = true}
    %dma_start3A_16 = arith.constant 2 : i32
    %dma_start3A_17 = arith.constant 0 : i32
    %dma_start3A_18 = tpu.memref_slice %arg6[%dma_start3A_16, %dma_start3A_17] : memref<160x128xi32, #tpu.memory_space<vmem>> -> memref<1x128xi32, #tpu.memory_space<vmem>>
    %dma_start3A_19 = tpu.memref_squeeze %dma_start3A_18 : memref<1x128xi32, #tpu.memory_space<vmem>> -> memref<128xi32, #tpu.memory_space<vmem>>
    %dma_start3A_20 = arith.constant 0 : i32
    %dma_start3A_21 = arith.constant 0 : i32
    %dma_start3A_22 = tpu.memref_slice %arg9[%dma_start3A_20, %dma_start3A_21] : memref<5248x128xf32, #tpu.memory_space<vmem_shared>> -> memref<5248x128xf32, #tpu.memory_space<vmem_shared>>
    tpu.enqueue_indirect_dma source(%arg7 : memref<128x128xf32, #tpu.memory_space<vmem>>) target(%dma_start3A_22 : memref<5248x128xf32, #tpu.memory_space<vmem_shared>>) offsets(%dma_start3A_19 : memref<128xi32, #tpu.memory_space<vmem>>) semaphore(%arg8 : memref<!tpu.dma_semaphore, #tpu.memory_space<semaphore_mem>>) {add = true}
    %dma_start3A_23 = arith.constant 3 : i32
    %dma_start3A_24 = arith.constant 0 : i32
    %dma_start3A_25 = tpu.memref_slice %arg6[%dma_start3A_23, %dma_start3A_24] : memref<160x128xi32, #tpu.memory_space<vmem>> -> memref<1x128xi32, #tpu.memory_space<vmem>>
    %dma_start3A_26 = tpu.memref_squeeze %dma_start3A_25 : memref<1x128xi32, #tpu.memory_space<vmem>> -> memref<128xi32, #tpu.memory_space<vmem>>
    %dma_start3A_27 = arith.constant 0 : i32
    %dma_start3A_28 = arith.constant 0 : i32
    %dma_start3A_29 = tpu.memref_slice %arg9[%dma_start3A_27, %dma_start3A_28] : memref<5248x128xf32, #tpu.memory_space<vmem_shared>> -> memref<5248x128xf32, #tpu.memory_space<vmem_shared>>
    tpu.enqueue_indirect_dma source(%arg7 : memref<128x128xf32, #tpu.memory_space<vmem>>) target(%dma_start3A_29 : memref<5248x128xf32, #tpu.memory_space<vmem_shared>>) offsets(%dma_start3A_26 : memref<128xi32, #tpu.memory_space<vmem>>) semaphore(%arg8 : memref<!tpu.dma_semaphore, #tpu.memory_space<semaphore_mem>>) {add = true}
    %scan3A = arith.constant 0 : i32
    %scan3A_30 = arith.constant 0 : i32
    %scan3A_31 = arith.constant 160 : i32
    %scan3A_32 = arith.addi %scan3A_30, %scan3A_31 : i32
    %scan3A_33 = arith.constant 1 : i32
    scf.for %scan3A_36 = %scan3A_30 to %scan3A_32 step %scan3A_33  : i32 {
      %dma_wait3A = arith.constant 0 : i32
      %dma_wait3A_37 = arith.constant 0 : i32
      %dma_wait3A_38 = tpu.memref_slice %arg6[%dma_wait3A, %dma_wait3A_37] : memref<160x128xi32, #tpu.memory_space<vmem>> -> memref<1x128xi32, #tpu.memory_space<vmem>>
      %dma_wait3A_39 = tpu.memref_squeeze %dma_wait3A_38 : memref<1x128xi32, #tpu.memory_space<vmem>> -> memref<128xi32, #tpu.memory_space<vmem>>
      %dma_wait3A_40 = arith.constant 0 : i32
      %dma_wait3A_41 = arith.constant 0 : i32
      %dma_wait3A_42 = tpu.memref_slice %arg9[%dma_wait3A_40, %dma_wait3A_41] : memref<5248x128xf32, #tpu.memory_space<vmem_shared>> -> memref<5248x128xf32, #tpu.memory_space<vmem_shared>>
      tpu.wait_indirect_dma semaphore(%arg8 : memref<!tpu.dma_semaphore, #tpu.memory_space<semaphore_mem>>) src(%arg7 : memref<128x128xf32, #tpu.memory_space<vmem>>) dst(%dma_wait3A_42 : memref<5248x128xf32, #tpu.memory_space<vmem_shared>>)
      %add3A_43 = arith.constant 4 : i32
      %add3A_44 = arith.addi %scan3A_36, %add3A_43 : i32
      %lt3A = arith.constant 160 : i32
      %lt3A_45 = arith.cmpi slt, %add3A_44, %lt3A : i32
      %convert_element_type3A = arith.extui %lt3A_45 : i1 to i32
      %cond3A = arith.constant 0 : i32
      %cond3A_46 = arith.cmpi ne, %convert_element_type3A, %cond3A : i32
      scf.if %cond3A_46 {
        %add3A_47 = arith.constant 4 : i32
        %add3A_48 = arith.addi %scan3A_36, %add3A_47 : i32
        %dma_start3A_49 = arith.constant 0 : i32
        %dma_start3A_50 = tpu.memref_slice %arg6[%add3A_48, %dma_start3A_49] : memref<160x128xi32, #tpu.memory_space<vmem>> -> memref<1x128xi32, #tpu.memory_space<vmem>>
        %dma_start3A_51 = tpu.memref_squeeze %dma_start3A_50 : memref<1x128xi32, #tpu.memory_space<vmem>> -> memref<128xi32, #tpu.memory_space<vmem>>
        %dma_start3A_52 = arith.constant 0 : i32
        %dma_start3A_53 = arith.constant 0 : i32
        %dma_start3A_54 = tpu.memref_slice %arg9[%dma_start3A_52, %dma_start3A_53] : memref<5248x128xf32, #tpu.memory_space<vmem_shared>> -> memref<5248x128xf32, #tpu.memory_space<vmem_shared>>
        tpu.enqueue_indirect_dma source(%arg7 : memref<128x128xf32, #tpu.memory_space<vmem>>) target(%dma_start3A_54 : memref<5248x128xf32, #tpu.memory_space<vmem_shared>>) offsets(%dma_start3A_51 : memref<128xi32, #tpu.memory_space<vmem>>) semaphore(%arg8 : memref<!tpu.dma_semaphore, #tpu.memory_space<semaphore_mem>>) {add = true}
      } else {
      }
    }
    %scan3A_34 = arith.constant 160 : i32
    %barrier3A_35 = arith.constant 0 : index
    tpu.barrier barrier_id(%barrier3A_35)
    "tpu.region"() ({
      %run_scoped3A = tpu.sem_alloc : memref<!tpu.dma_semaphore, #tpu.memory_space<semaphore_mem>>
      %dma_start3A_36 = arith.constant 0 : i32
      %dma_start3A_37 = arith.constant 0 : i32
      %dma_start3A_38 = tpu.memref_slice %arg5[%arg0, %dma_start3A_36, %dma_start3A_37] : memref<2x5248x128xf32, #tpu.memory_space<hbm>> -> memref<1x5248x128xf32, #tpu.memory_space<hbm>>
      %dma_start3A_39 = tpu.memref_squeeze %dma_start3A_38 : memref<1x5248x128xf32, #tpu.memory_space<hbm>> -> memref<5248x128xf32, #tpu.memory_space<hbm>>
      %dma_start3A_40 = arith.constant 0 : i32
      %dma_start3A_41 = tpu.memref_slice %dma_start3A_39[%mul3A_2, %dma_start3A_40] : memref<5248x128xf32, #tpu.memory_space<hbm>> -> memref<328x128xf32, #tpu.memory_space<hbm>>
      %dma_start3A_42 = arith.constant 0 : i32
      %dma_start3A_43 = tpu.memref_slice %arg9[%mul3A_2, %dma_start3A_42] : memref<5248x128xf32, #tpu.memory_space<vmem_shared>> -> memref<328x128xf32, #tpu.memory_space<vmem_shared>>
      tpu.enqueue_dma source(%dma_start3A_43 : memref<328x128xf32, #tpu.memory_space<vmem_shared>>) target(%dma_start3A_41 : memref<328x128xf32, #tpu.memory_space<hbm>>) target_semaphore(%run_scoped3A : memref<!tpu.dma_semaphore, #tpu.memory_space<semaphore_mem>>)
      %dma_wait3A = arith.constant 0 : i32
      %dma_wait3A_44 = arith.constant 0 : i32
      %dma_wait3A_45 = tpu.memref_slice %arg5[%arg0, %dma_wait3A, %dma_wait3A_44] : memref<2x5248x128xf32, #tpu.memory_space<hbm>> -> memref<1x5248x128xf32, #tpu.memory_space<hbm>>
      %dma_wait3A_46 = tpu.memref_squeeze %dma_wait3A_45 : memref<1x5248x128xf32, #tpu.memory_space<hbm>> -> memref<5248x128xf32, #tpu.memory_space<hbm>>
      %dma_wait3A_47 = arith.constant 0 : i32
      %dma_wait3A_48 = tpu.memref_slice %dma_wait3A_46[%mul3A_2, %dma_wait3A_47] : memref<5248x128xf32, #tpu.memory_space<hbm>> -> memref<328x128xf32, #tpu.memory_space<hbm>>
      %dma_wait3A_49 = arith.constant 0 : i32
      %dma_wait3A_50 = tpu.memref_slice %arg9[%mul3A_2, %dma_wait3A_49] : memref<5248x128xf32, #tpu.memory_space<vmem_shared>> -> memref<328x128xf32, #tpu.memory_space<vmem_shared>>
      tpu.wait_dma2 semaphore(%run_scoped3A : memref<!tpu.dma_semaphore, #tpu.memory_space<semaphore_mem>>) src(%dma_wait3A_50 : memref<328x128xf32, #tpu.memory_space<vmem_shared>>) dst(%dma_wait3A_48 : memref<328x128xf32, #tpu.memory_space<hbm>>)
      tpu.yield
    }) : () -> ()
    return
  }
}

#map = affine_map<(d0, d1) -> (0, 0)>
#map1 = affine_map<(d0, d1) -> (0, 0, 0)>
module attributes {stable_mosaic.version = 14 : i64} {
  func.func @_agg_body(%arg0: i32, %arg1: i32, %arg2: memref<10240x128xf32, #tpu.memory_space<hbm>>, %arg3: memref<16x160x128xi32, #tpu.memory_space<hbm>>, %arg4: memref<32x160x128xi32, #tpu.memory_space<hbm>>, %arg5: memref<5248x128xf32, #tpu.memory_space<hbm>>, %arg6: memref<2x5248x128xf32, #tpu.memory_space<hbm>>, %arg7: memref<160x128xi32, #tpu.memory_space<vmem>>, %arg8: memref<160x128xi32, #tpu.memory_space<vmem>>, %arg9: memref<128x128xf32, #tpu.memory_space<vmem>>, %arg10: memref<128x128xf32, #tpu.memory_space<vmem>>, %arg11: memref<!tpu.dma_semaphore, #tpu.memory_space<semaphore_mem>>, %arg12: memref<!tpu.dma_semaphore, #tpu.memory_space<semaphore_mem>>, %arg13: memref<!tpu.dma_semaphore, #tpu.memory_space<semaphore_mem>>, %arg14: memref<!tpu.dma_semaphore, #tpu.memory_space<semaphore_mem>>, %arg15: memref<5248x128xf32, #tpu.memory_space<vmem_shared>>) attributes {dimension_semantics = [#tpu.dimension_semantics<core_parallel>, #tpu.dimension_semantics<subcore_parallel>], iteration_bounds = array<i64: 2, 16>, scalar_prefetch = 0 : i64, scratch_operands = 9 : i64, tpu.core_type = #tpu.core_type<sc_vector_subcore>, window_params = [{transform_indices = #map}, {transform_indices = #map1}, {transform_indices = #map1}, {transform_indices = #map}, {transform_indices = #map1}]} {
    %mul3A = arith.constant 16 : i32
    %mul3A_0 = arith.muli %arg0, %mul3A : i32
    %add3A = arith.addi %mul3A_0, %arg1 : i32
    %mul3A_1 = arith.constant 328 : i32
    %mul3A_2 = arith.muli %arg1, %mul3A_1 : i32
    "tpu.region"() ({
      %run_scoped3A = tpu.sem_alloc : memref<!tpu.dma_semaphore, #tpu.memory_space<semaphore_mem>>
      %dma_start3A_35 = arith.constant 0 : i32
      %dma_start3A_36 = arith.constant 0 : i32
      %dma_start3A_37 = tpu.memref_slice %arg3[%arg1, %dma_start3A_35, %dma_start3A_36] : memref<16x160x128xi32, #tpu.memory_space<hbm>> -> memref<1x160x128xi32, #tpu.memory_space<hbm>>
      %dma_start3A_38 = tpu.memref_squeeze %dma_start3A_37 : memref<1x160x128xi32, #tpu.memory_space<hbm>> -> memref<160x128xi32, #tpu.memory_space<hbm>>
      %dma_start3A_39 = arith.constant 0 : i32
      %dma_start3A_40 = arith.constant 0 : i32
      %dma_start3A_41 = tpu.memref_slice %arg3[%arg1, %dma_start3A_39, %dma_start3A_40] : memref<16x160x128xi32, #tpu.memory_space<hbm>> -> memref<1x160x128xi32, #tpu.memory_space<hbm>>
      %dma_start3A_42 = tpu.memref_squeeze %dma_start3A_41 : memref<1x160x128xi32, #tpu.memory_space<hbm>> -> memref<160x128xi32, #tpu.memory_space<hbm>>
      tpu.enqueue_dma source(%dma_start3A_42 : memref<160x128xi32, #tpu.memory_space<hbm>>) target(%arg7 : memref<160x128xi32, #tpu.memory_space<vmem>>) target_semaphore(%run_scoped3A : memref<!tpu.dma_semaphore, #tpu.memory_space<semaphore_mem>>)
      %dma_wait3A_43 = arith.constant 0 : i32
      %dma_wait3A_44 = arith.constant 0 : i32
      %dma_wait3A_45 = tpu.memref_slice %arg3[%arg1, %dma_wait3A_43, %dma_wait3A_44] : memref<16x160x128xi32, #tpu.memory_space<hbm>> -> memref<1x160x128xi32, #tpu.memory_space<hbm>>
      %dma_wait3A_46 = tpu.memref_squeeze %dma_wait3A_45 : memref<1x160x128xi32, #tpu.memory_space<hbm>> -> memref<160x128xi32, #tpu.memory_space<hbm>>
      %dma_wait3A_47 = arith.constant 0 : i32
      %dma_wait3A_48 = arith.constant 0 : i32
      %dma_wait3A_49 = tpu.memref_slice %arg3[%arg1, %dma_wait3A_47, %dma_wait3A_48] : memref<16x160x128xi32, #tpu.memory_space<hbm>> -> memref<1x160x128xi32, #tpu.memory_space<hbm>>
      %dma_wait3A_50 = tpu.memref_squeeze %dma_wait3A_49 : memref<1x160x128xi32, #tpu.memory_space<hbm>> -> memref<160x128xi32, #tpu.memory_space<hbm>>
      tpu.wait_dma2 semaphore(%run_scoped3A : memref<!tpu.dma_semaphore, #tpu.memory_space<semaphore_mem>>) src(%dma_wait3A_50 : memref<160x128xi32, #tpu.memory_space<hbm>>) dst(%arg7 : memref<160x128xi32, #tpu.memory_space<vmem>>)
      tpu.yield
    }) : () -> ()
    "tpu.region"() ({
      %run_scoped3A = tpu.sem_alloc : memref<!tpu.dma_semaphore, #tpu.memory_space<semaphore_mem>>
      %dma_start3A_35 = arith.constant 0 : i32
      %dma_start3A_36 = arith.constant 0 : i32
      %dma_start3A_37 = tpu.memref_slice %arg4[%add3A, %dma_start3A_35, %dma_start3A_36] : memref<32x160x128xi32, #tpu.memory_space<hbm>> -> memref<1x160x128xi32, #tpu.memory_space<hbm>>
      %dma_start3A_38 = tpu.memref_squeeze %dma_start3A_37 : memref<1x160x128xi32, #tpu.memory_space<hbm>> -> memref<160x128xi32, #tpu.memory_space<hbm>>
      %dma_start3A_39 = arith.constant 0 : i32
      %dma_start3A_40 = arith.constant 0 : i32
      %dma_start3A_41 = tpu.memref_slice %arg4[%add3A, %dma_start3A_39, %dma_start3A_40] : memref<32x160x128xi32, #tpu.memory_space<hbm>> -> memref<1x160x128xi32, #tpu.memory_space<hbm>>
      %dma_start3A_42 = tpu.memref_squeeze %dma_start3A_41 : memref<1x160x128xi32, #tpu.memory_space<hbm>> -> memref<160x128xi32, #tpu.memory_space<hbm>>
      tpu.enqueue_dma source(%dma_start3A_42 : memref<160x128xi32, #tpu.memory_space<hbm>>) target(%arg8 : memref<160x128xi32, #tpu.memory_space<vmem>>) target_semaphore(%run_scoped3A : memref<!tpu.dma_semaphore, #tpu.memory_space<semaphore_mem>>)
      %dma_wait3A_43 = arith.constant 0 : i32
      %dma_wait3A_44 = arith.constant 0 : i32
      %dma_wait3A_45 = tpu.memref_slice %arg4[%add3A, %dma_wait3A_43, %dma_wait3A_44] : memref<32x160x128xi32, #tpu.memory_space<hbm>> -> memref<1x160x128xi32, #tpu.memory_space<hbm>>
      %dma_wait3A_46 = tpu.memref_squeeze %dma_wait3A_45 : memref<1x160x128xi32, #tpu.memory_space<hbm>> -> memref<160x128xi32, #tpu.memory_space<hbm>>
      %dma_wait3A_47 = arith.constant 0 : i32
      %dma_wait3A_48 = arith.constant 0 : i32
      %dma_wait3A_49 = tpu.memref_slice %arg4[%add3A, %dma_wait3A_47, %dma_wait3A_48] : memref<32x160x128xi32, #tpu.memory_space<hbm>> -> memref<1x160x128xi32, #tpu.memory_space<hbm>>
      %dma_wait3A_50 = tpu.memref_squeeze %dma_wait3A_49 : memref<1x160x128xi32, #tpu.memory_space<hbm>> -> memref<160x128xi32, #tpu.memory_space<hbm>>
      tpu.wait_dma2 semaphore(%run_scoped3A : memref<!tpu.dma_semaphore, #tpu.memory_space<semaphore_mem>>) src(%dma_wait3A_50 : memref<160x128xi32, #tpu.memory_space<hbm>>) dst(%arg8 : memref<160x128xi32, #tpu.memory_space<vmem>>)
      tpu.yield
    }) : () -> ()
    "tpu.region"() ({
      %run_scoped3A = tpu.sem_alloc : memref<!tpu.dma_semaphore, #tpu.memory_space<semaphore_mem>>
      %dma_start3A_35 = arith.constant 0 : i32
      %dma_start3A_36 = tpu.memref_slice %arg15[%mul3A_2, %dma_start3A_35] : memref<5248x128xf32, #tpu.memory_space<vmem_shared>> -> memref<328x128xf32, #tpu.memory_space<vmem_shared>>
      %dma_start3A_37 = arith.constant 0 : i32
      %dma_start3A_38 = tpu.memref_slice %arg5[%mul3A_2, %dma_start3A_37] : memref<5248x128xf32, #tpu.memory_space<hbm>> -> memref<328x128xf32, #tpu.memory_space<hbm>>
      tpu.enqueue_dma source(%dma_start3A_38 : memref<328x128xf32, #tpu.memory_space<hbm>>) target(%dma_start3A_36 : memref<328x128xf32, #tpu.memory_space<vmem_shared>>) target_semaphore(%run_scoped3A : memref<!tpu.dma_semaphore, #tpu.memory_space<semaphore_mem>>)
      %dma_wait3A_39 = arith.constant 0 : i32
      %dma_wait3A_40 = tpu.memref_slice %arg15[%mul3A_2, %dma_wait3A_39] : memref<5248x128xf32, #tpu.memory_space<vmem_shared>> -> memref<328x128xf32, #tpu.memory_space<vmem_shared>>
      %dma_wait3A_41 = arith.constant 0 : i32
      %dma_wait3A_42 = tpu.memref_slice %arg5[%mul3A_2, %dma_wait3A_41] : memref<5248x128xf32, #tpu.memory_space<hbm>> -> memref<328x128xf32, #tpu.memory_space<hbm>>
      tpu.wait_dma2 semaphore(%run_scoped3A : memref<!tpu.dma_semaphore, #tpu.memory_space<semaphore_mem>>) src(%dma_wait3A_42 : memref<328x128xf32, #tpu.memory_space<hbm>>) dst(%dma_wait3A_40 : memref<328x128xf32, #tpu.memory_space<vmem_shared>>)
      tpu.yield
    }) : () -> ()
    %barrier3A = arith.constant 0 : index
    tpu.barrier barrier_id(%barrier3A)
    %dma_start3A = arith.constant 0 : i32
    %dma_start3A_3 = arith.constant 0 : i32
    %dma_start3A_4 = tpu.memref_slice %arg7[%dma_start3A, %dma_start3A_3] : memref<160x128xi32, #tpu.memory_space<vmem>> -> memref<1x128xi32, #tpu.memory_space<vmem>>
    %dma_start3A_5 = tpu.memref_squeeze %dma_start3A_4 : memref<1x128xi32, #tpu.memory_space<vmem>> -> memref<128xi32, #tpu.memory_space<vmem>>
    %dma_start3A_6 = arith.constant 0 : i32
    %dma_start3A_7 = arith.constant 0 : i32
    %dma_start3A_8 = tpu.memref_slice %arg2[%dma_start3A_6, %dma_start3A_7] : memref<10240x128xf32, #tpu.memory_space<hbm>> -> memref<10240x128xf32, #tpu.memory_space<hbm>>
    tpu.enqueue_indirect_dma source(%dma_start3A_8 : memref<10240x128xf32, #tpu.memory_space<hbm>>) target(%arg9 : memref<128x128xf32, #tpu.memory_space<vmem>>) offsets(%dma_start3A_5 : memref<128xi32, #tpu.memory_space<vmem>>) semaphore(%arg11 : memref<!tpu.dma_semaphore, #tpu.memory_space<semaphore_mem>>)
    %dma_start3A_9 = arith.constant 1 : i32
    %dma_start3A_10 = arith.constant 0 : i32
    %dma_start3A_11 = tpu.memref_slice %arg7[%dma_start3A_9, %dma_start3A_10] : memref<160x128xi32, #tpu.memory_space<vmem>> -> memref<1x128xi32, #tpu.memory_space<vmem>>
    %dma_start3A_12 = tpu.memref_squeeze %dma_start3A_11 : memref<1x128xi32, #tpu.memory_space<vmem>> -> memref<128xi32, #tpu.memory_space<vmem>>
    %dma_start3A_13 = arith.constant 0 : i32
    %dma_start3A_14 = arith.constant 0 : i32
    %dma_start3A_15 = tpu.memref_slice %arg2[%dma_start3A_13, %dma_start3A_14] : memref<10240x128xf32, #tpu.memory_space<hbm>> -> memref<10240x128xf32, #tpu.memory_space<hbm>>
    tpu.enqueue_indirect_dma source(%dma_start3A_15 : memref<10240x128xf32, #tpu.memory_space<hbm>>) target(%arg10 : memref<128x128xf32, #tpu.memory_space<vmem>>) offsets(%dma_start3A_12 : memref<128xi32, #tpu.memory_space<vmem>>) semaphore(%arg12 : memref<!tpu.dma_semaphore, #tpu.memory_space<semaphore_mem>>)
    %scan3A = arith.constant 0 : i32
    %scan3A_16 = arith.constant 0 : i32
    %scan3A_17 = arith.constant 80 : i32
    %scan3A_18 = arith.addi %scan3A_16, %scan3A_17 : i32
    %scan3A_19 = arith.constant 1 : i32
    scf.for %scan3A_35 = %scan3A_16 to %scan3A_18 step %scan3A_19  : i32 {
      %mul3A_36 = arith.constant 2 : i32
      %mul3A_37 = arith.muli %scan3A_35, %mul3A_36 : i32
      %add3A_38 = arith.constant 0 : i32
      %add3A_39 = arith.addi %mul3A_37, %add3A_38 : i32
      %dma_wait3A_40 = arith.constant 0 : i32
      %dma_wait3A_41 = arith.constant 0 : i32
      %dma_wait3A_42 = tpu.memref_slice %arg7[%dma_wait3A_40, %dma_wait3A_41] : memref<160x128xi32, #tpu.memory_space<vmem>> -> memref<1x128xi32, #tpu.memory_space<vmem>>
      %dma_wait3A_43 = tpu.memref_squeeze %dma_wait3A_42 : memref<1x128xi32, #tpu.memory_space<vmem>> -> memref<128xi32, #tpu.memory_space<vmem>>
      %dma_wait3A_44 = arith.constant 0 : i32
      %dma_wait3A_45 = arith.constant 0 : i32
      %dma_wait3A_46 = tpu.memref_slice %arg2[%dma_wait3A_44, %dma_wait3A_45] : memref<10240x128xf32, #tpu.memory_space<hbm>> -> memref<10240x128xf32, #tpu.memory_space<hbm>>
      tpu.wait_indirect_dma semaphore(%arg11 : memref<!tpu.dma_semaphore, #tpu.memory_space<semaphore_mem>>) src(%dma_wait3A_46 : memref<10240x128xf32, #tpu.memory_space<hbm>>) dst(%arg9 : memref<128x128xf32, #tpu.memory_space<vmem>>)
      %dma_start3A_47 = arith.constant 0 : i32
      %dma_start3A_48 = tpu.memref_slice %arg8[%add3A_39, %dma_start3A_47] : memref<160x128xi32, #tpu.memory_space<vmem>> -> memref<1x128xi32, #tpu.memory_space<vmem>>
      %dma_start3A_49 = tpu.memref_squeeze %dma_start3A_48 : memref<1x128xi32, #tpu.memory_space<vmem>> -> memref<128xi32, #tpu.memory_space<vmem>>
      %dma_start3A_50 = arith.constant 0 : i32
      %dma_start3A_51 = arith.constant 0 : i32
      %dma_start3A_52 = tpu.memref_slice %arg15[%dma_start3A_50, %dma_start3A_51] : memref<5248x128xf32, #tpu.memory_space<vmem_shared>> -> memref<5248x128xf32, #tpu.memory_space<vmem_shared>>
      tpu.enqueue_indirect_dma source(%arg9 : memref<128x128xf32, #tpu.memory_space<vmem>>) target(%dma_start3A_52 : memref<5248x128xf32, #tpu.memory_space<vmem_shared>>) offsets(%dma_start3A_49 : memref<128xi32, #tpu.memory_space<vmem>>) semaphore(%arg13 : memref<!tpu.dma_semaphore, #tpu.memory_space<semaphore_mem>>) {add = true}
      %add3A_53 = arith.constant 1 : i32
      %add3A_54 = arith.addi %mul3A_37, %add3A_53 : i32
      %dma_wait3A_55 = arith.constant 0 : i32
      %dma_wait3A_56 = arith.constant 0 : i32
      %dma_wait3A_57 = tpu.memref_slice %arg7[%dma_wait3A_55, %dma_wait3A_56] : memref<160x128xi32, #tpu.memory_space<vmem>> -> memref<1x128xi32, #tpu.memory_space<vmem>>
      %dma_wait3A_58 = tpu.memref_squeeze %dma_wait3A_57 : memref<1x128xi32, #tpu.memory_space<vmem>> -> memref<128xi32, #tpu.memory_space<vmem>>
      %dma_wait3A_59 = arith.constant 0 : i32
      %dma_wait3A_60 = arith.constant 0 : i32
      %dma_wait3A_61 = tpu.memref_slice %arg2[%dma_wait3A_59, %dma_wait3A_60] : memref<10240x128xf32, #tpu.memory_space<hbm>> -> memref<10240x128xf32, #tpu.memory_space<hbm>>
      tpu.wait_indirect_dma semaphore(%arg12 : memref<!tpu.dma_semaphore, #tpu.memory_space<semaphore_mem>>) src(%dma_wait3A_61 : memref<10240x128xf32, #tpu.memory_space<hbm>>) dst(%arg10 : memref<128x128xf32, #tpu.memory_space<vmem>>)
      %dma_start3A_62 = arith.constant 0 : i32
      %dma_start3A_63 = tpu.memref_slice %arg8[%add3A_54, %dma_start3A_62] : memref<160x128xi32, #tpu.memory_space<vmem>> -> memref<1x128xi32, #tpu.memory_space<vmem>>
      %dma_start3A_64 = tpu.memref_squeeze %dma_start3A_63 : memref<1x128xi32, #tpu.memory_space<vmem>> -> memref<128xi32, #tpu.memory_space<vmem>>
      %dma_start3A_65 = arith.constant 0 : i32
      %dma_start3A_66 = arith.constant 0 : i32
      %dma_start3A_67 = tpu.memref_slice %arg15[%dma_start3A_65, %dma_start3A_66] : memref<5248x128xf32, #tpu.memory_space<vmem_shared>> -> memref<5248x128xf32, #tpu.memory_space<vmem_shared>>
      tpu.enqueue_indirect_dma source(%arg10 : memref<128x128xf32, #tpu.memory_space<vmem>>) target(%dma_start3A_67 : memref<5248x128xf32, #tpu.memory_space<vmem_shared>>) offsets(%dma_start3A_64 : memref<128xi32, #tpu.memory_space<vmem>>) semaphore(%arg14 : memref<!tpu.dma_semaphore, #tpu.memory_space<semaphore_mem>>) {add = true}
      %add3A_68 = arith.constant 0 : i32
      %add3A_69 = arith.addi %mul3A_37, %add3A_68 : i32
      %add3A_70 = arith.constant 2 : i32
      %add3A_71 = arith.addi %add3A_69, %add3A_70 : i32
      %lt3A = arith.constant 160 : i32
      %lt3A_72 = arith.cmpi slt, %add3A_71, %lt3A : i32
      %convert_element_type3A = arith.extui %lt3A_72 : i1 to i32
      %cond3A = arith.constant 0 : i32
      %cond3A_73 = arith.cmpi ne, %convert_element_type3A, %cond3A : i32
      scf.if %cond3A_73 {
        %dma_wait3A_83 = arith.constant 0 : i32
        %dma_wait3A_84 = arith.constant 0 : i32
        %dma_wait3A_85 = tpu.memref_slice %arg8[%dma_wait3A_83, %dma_wait3A_84] : memref<160x128xi32, #tpu.memory_space<vmem>> -> memref<1x128xi32, #tpu.memory_space<vmem>>
        %dma_wait3A_86 = tpu.memref_squeeze %dma_wait3A_85 : memref<1x128xi32, #tpu.memory_space<vmem>> -> memref<128xi32, #tpu.memory_space<vmem>>
        %dma_wait3A_87 = arith.constant 0 : i32
        %dma_wait3A_88 = arith.constant 0 : i32
        %dma_wait3A_89 = tpu.memref_slice %arg15[%dma_wait3A_87, %dma_wait3A_88] : memref<5248x128xf32, #tpu.memory_space<vmem_shared>> -> memref<5248x128xf32, #tpu.memory_space<vmem_shared>>
        tpu.wait_indirect_dma semaphore(%arg13 : memref<!tpu.dma_semaphore, #tpu.memory_space<semaphore_mem>>) src(%arg9 : memref<128x128xf32, #tpu.memory_space<vmem>>) dst(%dma_wait3A_89 : memref<5248x128xf32, #tpu.memory_space<vmem_shared>>)
        %add3A_90 = arith.constant 2 : i32
        %add3A_91 = arith.addi %add3A_69, %add3A_90 : i32
        %dma_start3A_92 = arith.constant 0 : i32
        %dma_start3A_93 = tpu.memref_slice %arg7[%add3A_91, %dma_start3A_92] : memref<160x128xi32, #tpu.memory_space<vmem>> -> memref<1x128xi32, #tpu.memory_space<vmem>>
        %dma_start3A_94 = tpu.memref_squeeze %dma_start3A_93 : memref<1x128xi32, #tpu.memory_space<vmem>> -> memref<128xi32, #tpu.memory_space<vmem>>
        %dma_start3A_95 = arith.constant 0 : i32
        %dma_start3A_96 = arith.constant 0 : i32
        %dma_start3A_97 = tpu.memref_slice %arg2[%dma_start3A_95, %dma_start3A_96] : memref<10240x128xf32, #tpu.memory_space<hbm>> -> memref<10240x128xf32, #tpu.memory_space<hbm>>
        tpu.enqueue_indirect_dma source(%dma_start3A_97 : memref<10240x128xf32, #tpu.memory_space<hbm>>) target(%arg9 : memref<128x128xf32, #tpu.memory_space<vmem>>) offsets(%dma_start3A_94 : memref<128xi32, #tpu.memory_space<vmem>>) semaphore(%arg11 : memref<!tpu.dma_semaphore, #tpu.memory_space<semaphore_mem>>)
      } else {
      }
      %add3A_74 = arith.constant 1 : i32
      %add3A_75 = arith.addi %mul3A_37, %add3A_74 : i32
      %add3A_76 = arith.constant 2 : i32
      %add3A_77 = arith.addi %add3A_75, %add3A_76 : i32
      %lt3A_78 = arith.constant 160 : i32
      %lt3A_79 = arith.cmpi slt, %add3A_77, %lt3A_78 : i32
      %convert_element_type3A_80 = arith.extui %lt3A_79 : i1 to i32
      %cond3A_81 = arith.constant 0 : i32
      %cond3A_82 = arith.cmpi ne, %convert_element_type3A_80, %cond3A_81 : i32
      scf.if %cond3A_82 {
        %dma_wait3A_83 = arith.constant 0 : i32
        %dma_wait3A_84 = arith.constant 0 : i32
        %dma_wait3A_85 = tpu.memref_slice %arg8[%dma_wait3A_83, %dma_wait3A_84] : memref<160x128xi32, #tpu.memory_space<vmem>> -> memref<1x128xi32, #tpu.memory_space<vmem>>
        %dma_wait3A_86 = tpu.memref_squeeze %dma_wait3A_85 : memref<1x128xi32, #tpu.memory_space<vmem>> -> memref<128xi32, #tpu.memory_space<vmem>>
        %dma_wait3A_87 = arith.constant 0 : i32
        %dma_wait3A_88 = arith.constant 0 : i32
        %dma_wait3A_89 = tpu.memref_slice %arg15[%dma_wait3A_87, %dma_wait3A_88] : memref<5248x128xf32, #tpu.memory_space<vmem_shared>> -> memref<5248x128xf32, #tpu.memory_space<vmem_shared>>
        tpu.wait_indirect_dma semaphore(%arg14 : memref<!tpu.dma_semaphore, #tpu.memory_space<semaphore_mem>>) src(%arg10 : memref<128x128xf32, #tpu.memory_space<vmem>>) dst(%dma_wait3A_89 : memref<5248x128xf32, #tpu.memory_space<vmem_shared>>)
        %add3A_90 = arith.constant 2 : i32
        %add3A_91 = arith.addi %add3A_75, %add3A_90 : i32
        %dma_start3A_92 = arith.constant 0 : i32
        %dma_start3A_93 = tpu.memref_slice %arg7[%add3A_91, %dma_start3A_92] : memref<160x128xi32, #tpu.memory_space<vmem>> -> memref<1x128xi32, #tpu.memory_space<vmem>>
        %dma_start3A_94 = tpu.memref_squeeze %dma_start3A_93 : memref<1x128xi32, #tpu.memory_space<vmem>> -> memref<128xi32, #tpu.memory_space<vmem>>
        %dma_start3A_95 = arith.constant 0 : i32
        %dma_start3A_96 = arith.constant 0 : i32
        %dma_start3A_97 = tpu.memref_slice %arg2[%dma_start3A_95, %dma_start3A_96] : memref<10240x128xf32, #tpu.memory_space<hbm>> -> memref<10240x128xf32, #tpu.memory_space<hbm>>
        tpu.enqueue_indirect_dma source(%dma_start3A_97 : memref<10240x128xf32, #tpu.memory_space<hbm>>) target(%arg10 : memref<128x128xf32, #tpu.memory_space<vmem>>) offsets(%dma_start3A_94 : memref<128xi32, #tpu.memory_space<vmem>>) semaphore(%arg12 : memref<!tpu.dma_semaphore, #tpu.memory_space<semaphore_mem>>)
      } else {
      }
    }
    %scan3A_20 = arith.constant 80 : i32
    %dma_wait3A = arith.constant 0 : i32
    %dma_wait3A_21 = arith.constant 0 : i32
    %dma_wait3A_22 = tpu.memref_slice %arg8[%dma_wait3A, %dma_wait3A_21] : memref<160x128xi32, #tpu.memory_space<vmem>> -> memref<1x128xi32, #tpu.memory_space<vmem>>
    %dma_wait3A_23 = tpu.memref_squeeze %dma_wait3A_22 : memref<1x128xi32, #tpu.memory_space<vmem>> -> memref<128xi32, #tpu.memory_space<vmem>>
    %dma_wait3A_24 = arith.constant 0 : i32
    %dma_wait3A_25 = arith.constant 0 : i32
    %dma_wait3A_26 = tpu.memref_slice %arg15[%dma_wait3A_24, %dma_wait3A_25] : memref<5248x128xf32, #tpu.memory_space<vmem_shared>> -> memref<5248x128xf32, #tpu.memory_space<vmem_shared>>
    tpu.wait_indirect_dma semaphore(%arg13 : memref<!tpu.dma_semaphore, #tpu.memory_space<semaphore_mem>>) src(%arg9 : memref<128x128xf32, #tpu.memory_space<vmem>>) dst(%dma_wait3A_26 : memref<5248x128xf32, #tpu.memory_space<vmem_shared>>)
    %dma_wait3A_27 = arith.constant 0 : i32
    %dma_wait3A_28 = arith.constant 0 : i32
    %dma_wait3A_29 = tpu.memref_slice %arg8[%dma_wait3A_27, %dma_wait3A_28] : memref<160x128xi32, #tpu.memory_space<vmem>> -> memref<1x128xi32, #tpu.memory_space<vmem>>
    %dma_wait3A_30 = tpu.memref_squeeze %dma_wait3A_29 : memref<1x128xi32, #tpu.memory_space<vmem>> -> memref<128xi32, #tpu.memory_space<vmem>>
    %dma_wait3A_31 = arith.constant 0 : i32
    %dma_wait3A_32 = arith.constant 0 : i32
    %dma_wait3A_33 = tpu.memref_slice %arg15[%dma_wait3A_31, %dma_wait3A_32] : memref<5248x128xf32, #tpu.memory_space<vmem_shared>> -> memref<5248x128xf32, #tpu.memory_space<vmem_shared>>
    tpu.wait_indirect_dma semaphore(%arg14 : memref<!tpu.dma_semaphore, #tpu.memory_space<semaphore_mem>>) src(%arg10 : memref<128x128xf32, #tpu.memory_space<vmem>>) dst(%dma_wait3A_33 : memref<5248x128xf32, #tpu.memory_space<vmem_shared>>)
    %barrier3A_34 = arith.constant 0 : index
    tpu.barrier barrier_id(%barrier3A_34)
    "tpu.region"() ({
      %run_scoped3A = tpu.sem_alloc : memref<!tpu.dma_semaphore, #tpu.memory_space<semaphore_mem>>
      %dma_start3A_35 = arith.constant 0 : i32
      %dma_start3A_36 = arith.constant 0 : i32
      %dma_start3A_37 = tpu.memref_slice %arg6[%arg0, %dma_start3A_35, %dma_start3A_36] : memref<2x5248x128xf32, #tpu.memory_space<hbm>> -> memref<1x5248x128xf32, #tpu.memory_space<hbm>>
      %dma_start3A_38 = tpu.memref_squeeze %dma_start3A_37 : memref<1x5248x128xf32, #tpu.memory_space<hbm>> -> memref<5248x128xf32, #tpu.memory_space<hbm>>
      %dma_start3A_39 = arith.constant 0 : i32
      %dma_start3A_40 = tpu.memref_slice %dma_start3A_38[%mul3A_2, %dma_start3A_39] : memref<5248x128xf32, #tpu.memory_space<hbm>> -> memref<328x128xf32, #tpu.memory_space<hbm>>
      %dma_start3A_41 = arith.constant 0 : i32
      %dma_start3A_42 = tpu.memref_slice %arg15[%mul3A_2, %dma_start3A_41] : memref<5248x128xf32, #tpu.memory_space<vmem_shared>> -> memref<328x128xf32, #tpu.memory_space<vmem_shared>>
      tpu.enqueue_dma source(%dma_start3A_42 : memref<328x128xf32, #tpu.memory_space<vmem_shared>>) target(%dma_start3A_40 : memref<328x128xf32, #tpu.memory_space<hbm>>) target_semaphore(%run_scoped3A : memref<!tpu.dma_semaphore, #tpu.memory_space<semaphore_mem>>)
      %dma_wait3A_43 = arith.constant 0 : i32
      %dma_wait3A_44 = arith.constant 0 : i32
      %dma_wait3A_45 = tpu.memref_slice %arg6[%arg0, %dma_wait3A_43, %dma_wait3A_44] : memref<2x5248x128xf32, #tpu.memory_space<hbm>> -> memref<1x5248x128xf32, #tpu.memory_space<hbm>>
      %dma_wait3A_46 = tpu.memref_squeeze %dma_wait3A_45 : memref<1x5248x128xf32, #tpu.memory_space<hbm>> -> memref<5248x128xf32, #tpu.memory_space<hbm>>
      %dma_wait3A_47 = arith.constant 0 : i32
      %dma_wait3A_48 = tpu.memref_slice %dma_wait3A_46[%mul3A_2, %dma_wait3A_47] : memref<5248x128xf32, #tpu.memory_space<hbm>> -> memref<328x128xf32, #tpu.memory_space<hbm>>
      %dma_wait3A_49 = arith.constant 0 : i32
      %dma_wait3A_50 = tpu.memref_slice %arg15[%mul3A_2, %dma_wait3A_49] : memref<5248x128xf32, #tpu.memory_space<vmem_shared>> -> memref<328x128xf32, #tpu.memory_space<vmem_shared>>
      tpu.wait_dma2 semaphore(%run_scoped3A : memref<!tpu.dma_semaphore, #tpu.memory_space<semaphore_mem>>) src(%dma_wait3A_50 : memref<328x128xf32, #tpu.memory_space<vmem_shared>>) dst(%dma_wait3A_48 : memref<328x128xf32, #tpu.memory_space<hbm>>)
      tpu.yield
    }) : () -> ()
    return
  }
}

module attributes {stable_mosaic.version = 14 : i64} {
  func.func @_tc_a_body(%arg0: memref<2x5248x128xf32, #tpu.memory_space<vmem>>, %arg1: memref<10240x128xf32, #tpu.memory_space<vmem>>, %arg2: memref<128x128xf32, #tpu.memory_space<vmem>>, %arg3: memref<10240x1xf32, #tpu.memory_space<vmem>>, %arg4: memref<10240x128xf32, #tpu.memory_space<vmem>>) attributes {dimension_semantics = [], scalar_prefetch = 0 : i64, scratch_operands = 0 : i64, tpu.core_type = #tpu.core_type<tc>} {
    %get3A = arith.constant 0 : index
    %get3A_0 = arith.constant 0 : index
    %get3A_1 = arith.constant 0 : index
    %get3A_2 = vector.load %arg0[%get3A, %get3A_0, %get3A_1] : memref<2x5248x128xf32, #tpu.memory_space<vmem>>, vector<1x5120x1xf32>
    %get3A_3 = vector.shape_cast %get3A_2 : vector<1x5120x1xf32> to vector<5120x1xf32>
    %get3A_4 = arith.constant 1 : index
    %get3A_5 = arith.constant 0 : index
    %get3A_6 = arith.constant 0 : index
    %get3A_7 = vector.load %arg0[%get3A_4, %get3A_5, %get3A_6] : memref<2x5248x128xf32, #tpu.memory_space<vmem>>, vector<1x5120x1xf32>
    %get3A_8 = vector.shape_cast %get3A_7 : vector<1x5120x1xf32> to vector<5120x1xf32>
    %concatenate3A = tpu.concatenate %get3A_3, %get3A_8 in 0 : vector<5120x1xf32>, vector<5120x1xf32> -> vector<10240x1xf32>
    %add3A = arith.constant 1.000000e+00 : f32
    %add3A_9 = vector.broadcast %add3A : f32 to vector<10240x1xf32>
    %add3A_10 = arith.addf %concatenate3A, %add3A_9 : vector<10240x1xf32>
    %iota3A = tpu.iota {dimensions = array<i32: 0>} : vector<10240x1xi32>
    %lt3A = arith.constant 10000 : i32
    %lt3A_11 = vector.broadcast %lt3A : i32 to vector<10240x1xi32>
    %lt3A_12 = arith.cmpi slt, %iota3A, %lt3A_11 : vector<10240x1xi32>
    %rsqrt3A = math.rsqrt %add3A_10 : vector<10240x1xf32>
    %jit3A = arith.constant 0.000000e+00 : f32
    %broadcast_in_dim3A = vector.broadcast %jit3A : f32 to vector<10240x1xf32>
    %select_n3A = arith.select %lt3A_12, %rsqrt3A, %broadcast_in_dim3A : vector<10240x1xi1>, vector<10240x1xf32>
    %swap3A = arith.constant 0 : index
    %swap3A_13 = arith.constant 0 : index
    %swap3A_14 = vector.load %arg3[%swap3A, %swap3A_13] : memref<10240x1xf32, #tpu.memory_space<vmem>>, vector<10240x1xf32>
    tpu.vector_store %arg3[%swap3A, %swap3A_13], %select_n3A {strides = array<i32>} : memref<10240x1xf32, #tpu.memory_space<vmem>>, vector<10240x1xf32>,
    %get3A_15 = arith.constant 0 : index
    %get3A_16 = arith.constant 0 : index
    %get3A_17 = vector.load %arg1[%get3A_15, %get3A_16] : memref<10240x128xf32, #tpu.memory_space<vmem>>, vector<10240x128xf32>
    %get3A_18 = arith.constant 0 : index
    %get3A_19 = arith.constant 0 : index
    %get3A_20 = vector.load %arg2[%get3A_18, %get3A_19] : memref<128x128xf32, #tpu.memory_space<vmem>>, vector<128x128xf32>
    %dot_general3A = arith.constant dense<0.000000e+00> : vector<10240x128xf32>
    %dot_general3A_21 = tpu.matmul %get3A_17, %get3A_20, %dot_general3A {dimension_numbers = #tpu.dot_dimension_numbers<[1], [0], [0], [1], [0, 0, 1, 1], [], []>, transpose_lhs_hint = false} : vector<10240x128xf32>, vector<128x128xf32>, vector<10240x128xf32> -> vector<10240x128xf32>
    %mul3A = vector.broadcast %select_n3A : vector<10240x1xf32> to vector<10240x128xf32>
    %mul3A_22 = arith.mulf %dot_general3A_21, %mul3A : vector<10240x128xf32>
    %swap3A_23 = arith.constant 0 : index
    %swap3A_24 = arith.constant 0 : index
    %swap3A_25 = vector.load %arg4[%swap3A_23, %swap3A_24] : memref<10240x128xf32, #tpu.memory_space<vmem>>, vector<10240x128xf32>
    tpu.vector_store %arg4[%swap3A_23, %swap3A_24], %mul3A_22 {strides = array<i32>} : memref<10240x128xf32, #tpu.memory_space<vmem>>, vector<10240x128xf32>,
    return
  }
}

module attributes {stable_mosaic.version = 14 : i64} {
  func.func @_tc_b_body(%arg0: memref<2x5248x128xf32, #tpu.memory_space<vmem>>, %arg1: memref<10240x128xf32, #tpu.memory_space<vmem>>, %arg2: memref<10240x1xf32, #tpu.memory_space<vmem>>, %arg3: memref<1x128xf32, #tpu.memory_space<vmem>>, %arg4: memref<1x128xf32, #tpu.memory_space<vmem>>, %arg5: memref<1x128xf32, #tpu.memory_space<vmem>>, %arg6: memref<128x128xf32, #tpu.memory_space<vmem>>, %arg7: memref<10240x128xf32, #tpu.memory_space<vmem>>) attributes {dimension_semantics = [], scalar_prefetch = 0 : i64, scratch_operands = 0 : i64, tpu.core_type = #tpu.core_type<tc>} {
    %get3A = arith.constant 0 : index
    %get3A_0 = arith.constant 0 : index
    %get3A_1 = vector.load %arg2[%get3A, %get3A_0] : memref<10240x1xf32, #tpu.memory_space<vmem>>, vector<10240x1xf32>
    %get3A_2 = arith.constant 0 : index
    %get3A_3 = arith.constant 0 : index
    %get3A_4 = arith.constant 0 : index
    %get3A_5 = vector.load %arg0[%get3A_2, %get3A_3, %get3A_4] : memref<2x5248x128xf32, #tpu.memory_space<vmem>>, vector<1x5120x128xf32>
    %get3A_6 = vector.shape_cast %get3A_5 : vector<1x5120x128xf32> to vector<5120x128xf32>
    %get3A_7 = arith.constant 1 : index
    %get3A_8 = arith.constant 0 : index
    %get3A_9 = arith.constant 0 : index
    %get3A_10 = vector.load %arg0[%get3A_7, %get3A_8, %get3A_9] : memref<2x5248x128xf32, #tpu.memory_space<vmem>>, vector<1x5120x128xf32>
    %get3A_11 = vector.shape_cast %get3A_10 : vector<1x5120x128xf32> to vector<5120x128xf32>
    %concatenate3A = tpu.concatenate %get3A_6, %get3A_11 in 0 : vector<5120x128xf32>, vector<5120x128xf32> -> vector<10240x128xf32>
    %get3A_12 = arith.constant 0 : index
    %get3A_13 = arith.constant 0 : index
    %get3A_14 = vector.load %arg1[%get3A_12, %get3A_13] : memref<10240x128xf32, #tpu.memory_space<vmem>>, vector<10240x128xf32>
    %add3A = arith.addf %concatenate3A, %get3A_14 : vector<10240x128xf32>
    %mul3A = vector.broadcast %get3A_1 : vector<10240x1xf32> to vector<10240x128xf32>
    %mul3A_15 = arith.mulf %add3A, %mul3A : vector<10240x128xf32>
    %get3A_16 = arith.constant 0 : index
    %get3A_17 = arith.constant 0 : index
    %get3A_18 = vector.load %arg3[%get3A_16, %get3A_17] : memref<1x128xf32, #tpu.memory_space<vmem>>, vector<1x128xf32>
    %add3A_19 = vector.broadcast %get3A_18 : vector<1x128xf32> to vector<10240x128xf32>
    %add3A_20 = arith.addf %mul3A_15, %add3A_19 : vector<10240x128xf32>
    %iota3A = tpu.iota {dimensions = array<i32: 0>} : vector<10240x1xi32>
    %lt3A = arith.constant 10000 : i32
    %lt3A_21 = vector.broadcast %lt3A : i32 to vector<10240x1xi32>
    %lt3A_22 = arith.cmpi slt, %iota3A, %lt3A_21 : vector<10240x1xi32>
    %jit3A = arith.constant 0.000000e+00 : f32
    %broadcast_in_dim3A = vector.shape_cast %lt3A_22 : vector<10240x1xi1> to vector<10240x1xi1>
    %broadcast_in_dim3A_23 = vector.broadcast %broadcast_in_dim3A : vector<10240x1xi1> to vector<10240x128xi1>
    %broadcast_in_dim3A_24 = vector.broadcast %jit3A : f32 to vector<10240x128xf32>
    %select_n3A = arith.select %broadcast_in_dim3A_23, %add3A_20, %broadcast_in_dim3A_24 : vector<10240x128xi1>, vector<10240x128xf32>
    %reduce_sum3A = arith.constant dense<0.000000e+00> : vector<128xf32>
    %reduce_sum3A_25 = vector.multi_reduction <add>, %select_n3A, %reduce_sum3A [0] : vector<10240x128xf32> to vector<128xf32>
    %broadcast_in_dim3A_26 = vector.shape_cast %reduce_sum3A_25 : vector<128xf32> to vector<1x128xf32>
    %mul3A_27 = arith.constant 9.99999974E-5 : f32
    %mul3A_28 = vector.broadcast %mul3A_27 : f32 to vector<1x128xf32>
    %mul3A_29 = arith.mulf %broadcast_in_dim3A_26, %mul3A_28 : vector<1x128xf32>
    %sub3A = vector.broadcast %mul3A_29 : vector<1x128xf32> to vector<10240x128xf32>
    %sub3A_30 = arith.subf %select_n3A, %sub3A : vector<10240x128xf32>
    %jit3A_31 = arith.constant 0.000000e+00 : f32
    %broadcast_in_dim3A_32 = vector.shape_cast %lt3A_22 : vector<10240x1xi1> to vector<10240x1xi1>
    %broadcast_in_dim3A_33 = vector.broadcast %broadcast_in_dim3A_32 : vector<10240x1xi1> to vector<10240x128xi1>
    %broadcast_in_dim3A_34 = vector.broadcast %jit3A_31 : f32 to vector<10240x128xf32>
    %select_n3A_35 = arith.select %broadcast_in_dim3A_33, %sub3A_30, %broadcast_in_dim3A_34 : vector<10240x128xi1>, vector<10240x128xf32>
    %mul3A_36 = arith.mulf %select_n3A_35, %select_n3A_35 : vector<10240x128xf32>
    %reduce_sum3A_37 = arith.constant dense<0.000000e+00> : vector<128xf32>
    %reduce_sum3A_38 = vector.multi_reduction <add>, %mul3A_36, %reduce_sum3A_37 [0] : vector<10240x128xf32> to vector<128xf32>
    %broadcast_in_dim3A_39 = vector.shape_cast %reduce_sum3A_38 : vector<128xf32> to vector<1x128xf32>
    %mul3A_40 = arith.constant 9.99999974E-5 : f32
    %mul3A_41 = vector.broadcast %mul3A_40 : f32 to vector<1x128xf32>
    %mul3A_42 = arith.mulf %broadcast_in_dim3A_39, %mul3A_41 : vector<1x128xf32>
    %get3A_43 = arith.constant 0 : index
    %get3A_44 = arith.constant 0 : index
    %get3A_45 = vector.load %arg4[%get3A_43, %get3A_44] : memref<1x128xf32, #tpu.memory_space<vmem>>, vector<1x128xf32>
    %mul3A_46 = vector.broadcast %get3A_45 : vector<1x128xf32> to vector<10240x128xf32>
    %mul3A_47 = arith.mulf %mul3A_46, %select_n3A_35 : vector<10240x128xf32>
    %add3A_48 = arith.constant 9.99999974E-6 : f32
    %add3A_49 = vector.broadcast %add3A_48 : f32 to vector<1x128xf32>
    %add3A_50 = arith.addf %mul3A_42, %add3A_49 : vector<1x128xf32>
    %rsqrt3A = math.rsqrt %add3A_50 : vector<1x128xf32>
    %mul3A_51 = vector.broadcast %rsqrt3A : vector<1x128xf32> to vector<10240x128xf32>
    %mul3A_52 = arith.mulf %mul3A_47, %mul3A_51 : vector<10240x128xf32>
    %get3A_53 = arith.constant 0 : index
    %get3A_54 = arith.constant 0 : index
    %get3A_55 = vector.load %arg5[%get3A_53, %get3A_54] : memref<1x128xf32, #tpu.memory_space<vmem>>, vector<1x128xf32>
    %add3A_56 = vector.broadcast %get3A_55 : vector<1x128xf32> to vector<10240x128xf32>
    %add3A_57 = arith.addf %mul3A_52, %add3A_56 : vector<10240x128xf32>
    %max3A = arith.constant 0.000000e+00 : f32
    %max3A_58 = vector.broadcast %max3A : f32 to vector<10240x128xf32>
    %max3A_59 = arith.maximumf %add3A_57, %max3A_58 : vector<10240x128xf32>
    %get3A_60 = arith.constant 0 : index
    %get3A_61 = arith.constant 0 : index
    %get3A_62 = vector.load %arg6[%get3A_60, %get3A_61] : memref<128x128xf32, #tpu.memory_space<vmem>>, vector<128x128xf32>
    %dot_general3A = arith.constant dense<0.000000e+00> : vector<10240x128xf32>
    %dot_general3A_63 = tpu.matmul %max3A_59, %get3A_62, %dot_general3A {dimension_numbers = #tpu.dot_dimension_numbers<[1], [0], [0], [1], [0, 0, 1, 1], [], []>, transpose_lhs_hint = false} : vector<10240x128xf32>, vector<128x128xf32>, vector<10240x128xf32> -> vector<10240x128xf32>
    %get3A_64 = arith.constant 0 : index
    %get3A_65 = arith.constant 0 : index
    %get3A_66 = vector.load %arg2[%get3A_64, %get3A_65] : memref<10240x1xf32, #tpu.memory_space<vmem>>, vector<10240x1xf32>
    %mul3A_67 = vector.broadcast %get3A_66 : vector<10240x1xf32> to vector<10240x128xf32>
    %mul3A_68 = arith.mulf %dot_general3A_63, %mul3A_67 : vector<10240x128xf32>
    %swap3A = arith.constant 0 : index
    %swap3A_69 = arith.constant 0 : index
    %swap3A_70 = vector.load %arg7[%swap3A, %swap3A_69] : memref<10240x128xf32, #tpu.memory_space<vmem>>, vector<10240x128xf32>
    tpu.vector_store %arg7[%swap3A, %swap3A_69], %mul3A_68 {strides = array<i32>} : memref<10240x128xf32, #tpu.memory_space<vmem>>, vector<10240x128xf32>,
    return
  }
}

module attributes {stable_mosaic.version = 14 : i64} {
  func.func @_tc_c_body(%arg0: memref<2x5248x128xf32, #tpu.memory_space<vmem>>, %arg1: memref<10240x128xf32, #tpu.memory_space<vmem>>, %arg2: memref<10240x1xf32, #tpu.memory_space<vmem>>, %arg3: memref<1x128xf32, #tpu.memory_space<vmem>>, %arg4: memref<1x128xf32, #tpu.memory_space<vmem>>, %arg5: memref<1x128xf32, #tpu.memory_space<vmem>>, %arg6: memref<10240x64xf32, #tpu.memory_space<vmem>>, %arg7: memref<128x128xf32, #tpu.memory_space<vmem>>, %arg8: memref<64x128xf32, #tpu.memory_space<vmem>>, %arg9: memref<1x128xf32, #tpu.memory_space<vmem>>, %arg10: memref<128x40xf32, #tpu.memory_space<vmem>>, %arg11: memref<1x40xf32, #tpu.memory_space<vmem>>, %arg12: memref<10240x40xf32, #tpu.memory_space<vmem>>) attributes {dimension_semantics = [], scalar_prefetch = 0 : i64, scratch_operands = 0 : i64, tpu.core_type = #tpu.core_type<tc>} {
    %get3A = arith.constant 0 : index
    %get3A_0 = arith.constant 0 : index
    %get3A_1 = vector.load %arg2[%get3A, %get3A_0] : memref<10240x1xf32, #tpu.memory_space<vmem>>, vector<10240x1xf32>
    %get3A_2 = arith.constant 0 : index
    %get3A_3 = arith.constant 0 : index
    %get3A_4 = arith.constant 0 : index
    %get3A_5 = vector.load %arg0[%get3A_2, %get3A_3, %get3A_4] : memref<2x5248x128xf32, #tpu.memory_space<vmem>>, vector<1x5120x128xf32>
    %get3A_6 = vector.shape_cast %get3A_5 : vector<1x5120x128xf32> to vector<5120x128xf32>
    %get3A_7 = arith.constant 1 : index
    %get3A_8 = arith.constant 0 : index
    %get3A_9 = arith.constant 0 : index
    %get3A_10 = vector.load %arg0[%get3A_7, %get3A_8, %get3A_9] : memref<2x5248x128xf32, #tpu.memory_space<vmem>>, vector<1x5120x128xf32>
    %get3A_11 = vector.shape_cast %get3A_10 : vector<1x5120x128xf32> to vector<5120x128xf32>
    %concatenate3A = tpu.concatenate %get3A_6, %get3A_11 in 0 : vector<5120x128xf32>, vector<5120x128xf32> -> vector<10240x128xf32>
    %get3A_12 = arith.constant 0 : index
    %get3A_13 = arith.constant 0 : index
    %get3A_14 = vector.load %arg1[%get3A_12, %get3A_13] : memref<10240x128xf32, #tpu.memory_space<vmem>>, vector<10240x128xf32>
    %add3A = arith.addf %concatenate3A, %get3A_14 : vector<10240x128xf32>
    %mul3A = vector.broadcast %get3A_1 : vector<10240x1xf32> to vector<10240x128xf32>
    %mul3A_15 = arith.mulf %add3A, %mul3A : vector<10240x128xf32>
    %get3A_16 = arith.constant 0 : index
    %get3A_17 = arith.constant 0 : index
    %get3A_18 = vector.load %arg3[%get3A_16, %get3A_17] : memref<1x128xf32, #tpu.memory_space<vmem>>, vector<1x128xf32>
    %add3A_19 = vector.broadcast %get3A_18 : vector<1x128xf32> to vector<10240x128xf32>
    %add3A_20 = arith.addf %mul3A_15, %add3A_19 : vector<10240x128xf32>
    %iota3A = tpu.iota {dimensions = array<i32: 0>} : vector<10240x1xi32>
    %lt3A = arith.constant 10000 : i32
    %lt3A_21 = vector.broadcast %lt3A : i32 to vector<10240x1xi32>
    %lt3A_22 = arith.cmpi slt, %iota3A, %lt3A_21 : vector<10240x1xi32>
    %jit3A = arith.constant 0.000000e+00 : f32
    %broadcast_in_dim3A = vector.shape_cast %lt3A_22 : vector<10240x1xi1> to vector<10240x1xi1>
    %broadcast_in_dim3A_23 = vector.broadcast %broadcast_in_dim3A : vector<10240x1xi1> to vector<10240x128xi1>
    %broadcast_in_dim3A_24 = vector.broadcast %jit3A : f32 to vector<10240x128xf32>
    %select_n3A = arith.select %broadcast_in_dim3A_23, %add3A_20, %broadcast_in_dim3A_24 : vector<10240x128xi1>, vector<10240x128xf32>
    %reduce_sum3A = arith.constant dense<0.000000e+00> : vector<128xf32>
    %reduce_sum3A_25 = vector.multi_reduction <add>, %select_n3A, %reduce_sum3A [0] : vector<10240x128xf32> to vector<128xf32>
    %broadcast_in_dim3A_26 = vector.shape_cast %reduce_sum3A_25 : vector<128xf32> to vector<1x128xf32>
    %mul3A_27 = arith.constant 9.99999974E-5 : f32
    %mul3A_28 = vector.broadcast %mul3A_27 : f32 to vector<1x128xf32>
    %mul3A_29 = arith.mulf %broadcast_in_dim3A_26, %mul3A_28 : vector<1x128xf32>
    %sub3A = vector.broadcast %mul3A_29 : vector<1x128xf32> to vector<10240x128xf32>
    %sub3A_30 = arith.subf %select_n3A, %sub3A : vector<10240x128xf32>
    %jit3A_31 = arith.constant 0.000000e+00 : f32
    %broadcast_in_dim3A_32 = vector.shape_cast %lt3A_22 : vector<10240x1xi1> to vector<10240x1xi1>
    %broadcast_in_dim3A_33 = vector.broadcast %broadcast_in_dim3A_32 : vector<10240x1xi1> to vector<10240x128xi1>
    %broadcast_in_dim3A_34 = vector.broadcast %jit3A_31 : f32 to vector<10240x128xf32>
    %select_n3A_35 = arith.select %broadcast_in_dim3A_33, %sub3A_30, %broadcast_in_dim3A_34 : vector<10240x128xi1>, vector<10240x128xf32>
    %mul3A_36 = arith.mulf %select_n3A_35, %select_n3A_35 : vector<10240x128xf32>
    %reduce_sum3A_37 = arith.constant dense<0.000000e+00> : vector<128xf32>
    %reduce_sum3A_38 = vector.multi_reduction <add>, %mul3A_36, %reduce_sum3A_37 [0] : vector<10240x128xf32> to vector<128xf32>
    %broadcast_in_dim3A_39 = vector.shape_cast %reduce_sum3A_38 : vector<128xf32> to vector<1x128xf32>
    %mul3A_40 = arith.constant 9.99999974E-5 : f32
    %mul3A_41 = vector.broadcast %mul3A_40 : f32 to vector<1x128xf32>
    %mul3A_42 = arith.mulf %broadcast_in_dim3A_39, %mul3A_41 : vector<1x128xf32>
    %get3A_43 = arith.constant 0 : index
    %get3A_44 = arith.constant 0 : index
    %get3A_45 = vector.load %arg4[%get3A_43, %get3A_44] : memref<1x128xf32, #tpu.memory_space<vmem>>, vector<1x128xf32>
    %mul3A_46 = vector.broadcast %get3A_45 : vector<1x128xf32> to vector<10240x128xf32>
    %mul3A_47 = arith.mulf %mul3A_46, %select_n3A_35 : vector<10240x128xf32>
    %add3A_48 = arith.constant 9.99999974E-6 : f32
    %add3A_49 = vector.broadcast %add3A_48 : f32 to vector<1x128xf32>
    %add3A_50 = arith.addf %mul3A_42, %add3A_49 : vector<1x128xf32>
    %rsqrt3A = math.rsqrt %add3A_50 : vector<1x128xf32>
    %mul3A_51 = vector.broadcast %rsqrt3A : vector<1x128xf32> to vector<10240x128xf32>
    %mul3A_52 = arith.mulf %mul3A_47, %mul3A_51 : vector<10240x128xf32>
    %get3A_53 = arith.constant 0 : index
    %get3A_54 = arith.constant 0 : index
    %get3A_55 = vector.load %arg5[%get3A_53, %get3A_54] : memref<1x128xf32, #tpu.memory_space<vmem>>, vector<1x128xf32>
    %add3A_56 = vector.broadcast %get3A_55 : vector<1x128xf32> to vector<10240x128xf32>
    %add3A_57 = arith.addf %mul3A_52, %add3A_56 : vector<10240x128xf32>
    %max3A = arith.constant 0.000000e+00 : f32
    %max3A_58 = vector.broadcast %max3A : f32 to vector<10240x128xf32>
    %max3A_59 = arith.maximumf %add3A_57, %max3A_58 : vector<10240x128xf32>
    %get3A_60 = arith.constant 0 : index
    %get3A_61 = arith.constant 0 : index
    %get3A_62 = vector.load %arg7[%get3A_60, %get3A_61] : memref<128x128xf32, #tpu.memory_space<vmem>>, vector<128x128xf32>
    %dot_general3A = arith.constant dense<0.000000e+00> : vector<10240x128xf32>
    %dot_general3A_63 = tpu.matmul %max3A_59, %get3A_62, %dot_general3A {dimension_numbers = #tpu.dot_dimension_numbers<[1], [0], [0], [1], [0, 0, 1, 1], [], []>, transpose_lhs_hint = false} : vector<10240x128xf32>, vector<128x128xf32>, vector<10240x128xf32> -> vector<10240x128xf32>
    %get3A_64 = arith.constant 0 : index
    %get3A_65 = arith.constant 0 : index
    %get3A_66 = vector.load %arg6[%get3A_64, %get3A_65] : memref<10240x64xf32, #tpu.memory_space<vmem>>, vector<10240x64xf32>
    %get3A_67 = arith.constant 0 : index
    %get3A_68 = arith.constant 0 : index
    %get3A_69 = vector.load %arg8[%get3A_67, %get3A_68] : memref<64x128xf32, #tpu.memory_space<vmem>>, vector<64x128xf32>
    %dot_general3A_70 = arith.constant dense<0.000000e+00> : vector<10240x128xf32>
    %dot_general3A_71 = tpu.matmul %get3A_66, %get3A_69, %dot_general3A_70 {dimension_numbers = #tpu.dot_dimension_numbers<[1], [0], [0], [1], [0, 0, 1, 1], [], []>, transpose_lhs_hint = false} : vector<10240x64xf32>, vector<64x128xf32>, vector<10240x128xf32> -> vector<10240x128xf32>
    %add3A_72 = arith.addf %dot_general3A_63, %dot_general3A_71 : vector<10240x128xf32>
    %get3A_73 = arith.constant 0 : index
    %get3A_74 = arith.constant 0 : index
    %get3A_75 = vector.load %arg9[%get3A_73, %get3A_74] : memref<1x128xf32, #tpu.memory_space<vmem>>, vector<1x128xf32>
    %add3A_76 = vector.broadcast %get3A_75 : vector<1x128xf32> to vector<10240x128xf32>
    %add3A_77 = arith.addf %add3A_72, %add3A_76 : vector<10240x128xf32>
    %max3A_78 = arith.constant 0.000000e+00 : f32
    %max3A_79 = vector.broadcast %max3A_78 : f32 to vector<10240x128xf32>
    %max3A_80 = arith.maximumf %add3A_77, %max3A_79 : vector<10240x128xf32>
    %get3A_81 = arith.constant 0 : index
    %get3A_82 = arith.constant 0 : index
    %get3A_83 = vector.load %arg10[%get3A_81, %get3A_82] : memref<128x40xf32, #tpu.memory_space<vmem>>, vector<128x40xf32>
    %dot_general3A_84 = arith.constant dense<0.000000e+00> : vector<10240x40xf32>
    %dot_general3A_85 = tpu.matmul %max3A_80, %get3A_83, %dot_general3A_84 {dimension_numbers = #tpu.dot_dimension_numbers<[1], [0], [0], [1], [0, 0, 1, 1], [], []>, transpose_lhs_hint = false} : vector<10240x128xf32>, vector<128x40xf32>, vector<10240x40xf32> -> vector<10240x40xf32>
    %get3A_86 = arith.constant 0 : index
    %get3A_87 = arith.constant 0 : index
    %get3A_88 = vector.load %arg11[%get3A_86, %get3A_87] : memref<1x40xf32, #tpu.memory_space<vmem>>, vector<1x40xf32>
    %add3A_89 = vector.broadcast %get3A_88 : vector<1x40xf32> to vector<10240x40xf32>
    %add3A_90 = arith.addf %dot_general3A_85, %add3A_89 : vector<10240x40xf32>
    %swap3A = arith.constant 0 : index
    %swap3A_91 = arith.constant 0 : index
    %swap3A_92 = vector.load %arg12[%swap3A, %swap3A_91] : memref<10240x40xf32, #tpu.memory_space<vmem>>, vector<10240x40xf32>
    tpu.vector_store %arg12[%swap3A, %swap3A_91], %add3A_90 {strides = array<i32>} : memref<10240x40xf32, #tpu.memory_space<vmem>>, vector<10240x40xf32>,
    return
  }
}

</mosaic_0001>

<sc_bundles>
// kernel: kernel.11.cloned.1.call-start
scs
__scs_entry_jumppad:
0x0: {  	(pc) =	sbr.rel $0x88, $3  }
0x1: {  	(tag) =	ssettag $0x0;
	lr =	simm.s32 $0x1  }
0x2: {  	[smem:$0x3F92] =	sst lr;
	_ =	strace $0xD0000000  }
0x3: {  	_ = 	snop  }
0x4: {  	_ = 	snop  }
0x5: {  	_ = 	snop  }
0x6: {  	_ = 	snop  }
0x7: {  	_ = 	snop  }
__scs_overlays_trampoline_lowered:
0x8: {  	[smem:$0x3FA1] =	sst s0  }
0x9: {  	[smem:$0x3FA2] =	sst s1  }
0xa: {  	[smem:$0x3FA3] =	sst s2  }
0xb: {  	[smem:$0x3FA4] =	sst s3  }
0xc: {  	[smem:$0x3FA5] =	sst s4  }
0xd: {  	[smem:$0x3FA6] =	sst s5  }
0xe: {  	[smem:$0x3FA7] =	sst s6  }
0xf: {  	[smem:$0x3FA8] =	sst s7  }
0x10: {  	[smem:$0x3FA9] =	sst s8  }
0x11: {  	[smem:$0x3FAA] =	sst s9;
	s0 =	simm.s32 @!p0 $0x0  }
0x12: {  	s1 =	sld [smem:$0x3F90];
	s0 =	simm.s32 @p0 $0x1  }
0x13: {  	[smem:$0x3FAB] =	sst s0;
	s0 =	simm.s32 @!p1 $0x0  }
0x14: {  	s2 =	sld [smem:$0x3F8F];
	s0 =	simm.s32 @p1 $0x1  }
0x15: {  	[smem:$0x3FAC] =	sst s0;
	s0 =	simm.s32 @!p2 $0x0  }
0x16: {  	s3 =	sld [smem:$0x3FDB];
	s0 =	simm.s32 @p2 $0x1  }
0x17: {  	s4 =	simm.s32 $0x1BF5;
	[smem:$0x3FAE] =	sst s0  }
0x18: {  	s0 =	sld [smem:$0x3F91];
	_ =	swait.ge [sflag:s4], $0x0  }
0x19: {  	s7 =	sld [smem:$0x3F92]  }
0x1a: {  	s8 =	sadd.s32 $0xFFFFE003, lr  }
0x1b: {  	s9 =	sadd.s32 $0xFFFFFEF7, lr;
	s5 =	simm.s32 $0xFFFFFFFF;
	p2 =	slt.u32 s8, $0xFFFFF086  }
0x1c: {  	p1 =	slt.u32 s9, $0xF7A;
	s5 =	simm.s32 @!p2 $0x0  }
0x1d: {  	s5 =	simm.s32 @p1 $0x1;
	p0 =	seq.s32 s7, s2  }
0x1e: {  	s7 =	smul.u32 @!p0 $0xF7A, s2;
	p2 =	seq.s32 @!p0 s5, $0x0  }
0x1f: {  	s9 =	smul.u32 $0xF7A, s1;
	s8 =	simm.s32 @!p0 $0x1BF5;
	p2 =	por !p2, p0  }
0x20: {  	[sflag:s8] =	ssyncset.s32 @!p0 $0xFFFFF086;
	s6 =	sadd.s32 @!p0 s3, s7;
	s7 =	simm.s32 @!p0 $0x108  }
0x21: {  	s3 =	sadd.s32 s3, s9;
	s6 =	sadd.s32 @!p0 $0x88, s6;
	s7 =	simm.s32 @p2 $0x1082  }
0x22: {  	[simem:s7], [sflag:s8] =	dma.local @!p0 [hbm:s6], $0xF7A  }
0x23: {  	s9 =	sor.u32 $0xD0000000, s2;
	s6 =	simm.s32 $0x108;
	_ =	swait.ge @!p0 [sflag:s8], $0x0  }
0x24: {  	s3 =	sadd.s32 $0x88, s3;
	s6 =	simm.s32 @!p1 $0x1082;
	[sflag:s4] =	ssyncset.s32 $0xFFFFF086  }
0x25: {  	[simem:s6], [sflag:s4] =	dma.local [hbm:s3], $0xF7A  }
0x26: {  	[smem:$0x3F92] =	sst s1;
	(tag) =	ssettag s2;
	_ =	strace s9  }
0x27: {  	s1 =	sld [smem:$0x3FA2]  }
0x28: {  	s2 =	sld [smem:$0x3FA3]  }
0x29: {  	s4 =	sld [smem:$0x3FA5]  }
0x2a: {  	p0 =	seq.s32 s5, $0x0;
	s5 =	sld [smem:$0x3FA6]  }
0x2b: {  	s6 =	sld [smem:$0x3FA7]  }
0x2c: {  	s7 =	sld [smem:$0x3FA8]  }
0x2d: {  	s3 =	simm.s32 $0x108;
	s8 =	sld [smem:$0x3FA9]  }
0x2e: {  	s3 =	simm.s32 @!p0 $0x1082;
	s9 =	sld [smem:$0x3FAA]  }
0x2f: {  	lr =	sadd.s32 s0, s3;
	s0 =	sld [smem:$0x3FA1]  }
0x30: {  	s3 =	sld [smem:$0x3FA4]  }
0x31: {  	[smem:$0x3FAD] =	sst s10  }
0x32: {  	s10 =	sld [smem:$0x3FAB];
	_ =	sdelay $0x3  }
0x33: {  	p0 =	seq.s32 s10, $0x1;
	s10 =	sld [smem:$0x3FAD];
	_ =	sdelay $0x3  }
0x34: {  	[smem:$0x3FAD] =	sst s10  }
0x35: {  	s10 =	sld [smem:$0x3FAC];
	_ =	sdelay $0x3  }
0x36: {  	p1 =	seq.s32 s10, $0x1;
	s10 =	sld [smem:$0x3FAD];
	_ =	sdelay $0x3  }
0x37: {  	[smem:$0x3FAD] =	sst s10  }
0x38: {  	s10 =	sld [smem:$0x3FAE]  }
0x39: {  	_ = 	snop;
	(pc) =	sbr.ind lr, $3  }
0x3a: {  	_ = 	snop  }
0x3b: {  	_ = 	snop  }
0x3c: {  	p2 =	seq.s32 s10, $0x1;
	s10 =	sld [smem:$0x3FAD]  }
0x3d: {  	_ =	shalt  }
0x3e: {  	_ =	shalt  }
0x3f: {  	_ =	shalt  }
0x40: {  	_ =	shalt  }
0x41: {  	_ =	shalt  }
0x42: {  	_ =	shalt  }
0x43: {  	_ =	shalt  }
0x44: {  	_ =	shalt  }
0x45: {  	_ =	shalt  }
0x46: {  	_ =	shalt  }
0x47: {  	_ =	shalt  }
0x48: {  	_ =	shalt  }
0x49: {  	_ =	shalt  }
0x4a: {  	_ =	shalt  }
0x4b: {  	_ =	shalt  }
0x4c: {  	_ =	shalt  }
0x4d: {  	_ =	shalt  }
0x4e: {  	_ =	shalt  }
0x4f: {  	_ =	shalt  }
0x50: {  	_ =	shalt  }
0x51: {  	_ =	shalt  }
0x52: {  	_ =	shalt  }
0x53: {  	_ =	shalt  }
0x54: {  	_ =	shalt  }
0x55: {  	_ =	shalt  }
0x56: {  	_ =	shalt  }
0x57: {  	_ =	shalt  }
0x58: {  	_ =	shalt  }
0x59: {  	_ =	shalt  }
0x5a: {  	_ =	shalt  }
0x5b: {  	_ =	shalt  }
0x5c: {  	_ =	shalt  }
0x5d: {  	_ =	shalt  }
0x5e: {  	_ =	shalt  }
0x5f: {  	_ =	shalt  }
0x60: {  	_ =	shalt  }
0x61: {  	_ =	shalt  }
0x62: {  	_ =	shalt  }
0x63: {  	_ =	shalt  }
0x64: {  	_ =	shalt  }
0x65: {  	_ =	shalt  }
0x66: {  	_ =	shalt  }
0x67: {  	_ =	shalt  }
0x68: {  	_ =	shalt  }
0x69: {  	_ =	shalt  }
0x6a: {  	_ =	shalt  }
0x6b: {  	_ =	shalt  }
0x6c: {  	_ =	shalt  }
0x6d: {  	_ =	shalt  }
0x6e: {  	_ =	shalt  }
0x6f: {  	_ =	shalt  }
0x70: {  	_ =	shalt  }
0x71: {  	_ =	shalt  }
0x72: {  	_ =	shalt  }
0x73: {  	_ =	shalt  }
0x74: {  	_ =	shalt  }
0x75: {  	_ =	shalt  }
0x76: {  	_ =	shalt  }
0x77: {  	_ =	shalt  }
0x78: {  	_ =	shalt  }
0x79: {  	_ =	shalt  }
0x7a: {  	_ =	shalt  }
0x7b: {  	_ =	shalt  }
0x7c: {  	_ =	shalt  }
0x7d: {  	_ =	shalt  }
0x7e: {  	_ =	shalt  }
0x7f: {  	_ =	shalt  }
0x80: {  	_ =	shalt  }
0x81: {  	_ =	shalt  }
0x82: {  	_ =	shalt  }
0x83: {  	_ =	shalt  }
0x84: {  	_ =	shalt  }
0x85: {  	_ =	shalt  }
0x86: {  	_ =	shalt  }
0x87: {  	_ =	shalt  }
.Lfunc_end0:
.L_simem_size_0:
called_computation.1_lowered:
.L_overlay_start_0:
0x88: {  	s2 =	sld [smem:$0x3FD9]  }
0x89: {  	s3 =	sld [smem:$0x3FFE];
	_ =	sdelay $0x1  }
0x8a: {  	s1 =	srdreg.scid  }
0x8b: {  	s0 =	sand.u32 $0x1, s1  }
0x8c: {  	s17 =	sshll.u32 s0, $0xA;
	s2 =	sadd.s32 s3, s2  }
0x8d: {  	s2 =	sadd.s32 s2, s17  }
0x8e: {  	[smem:$0x3FB9] =	sst s2  }
0x8f: {  	_ = 	snop  }
0x90: {  	s2 =	sld [smem:$0x3FD0];
	(tm) =	ssettm $0x1  }
0x91: {  	s18 =	sld [smem:$0x3FFB];
	_ =	sdelay $0x3  }
0x92: {  	_ =	strace s18  }
0x93: {  	s3 =	sld [smem:$0x3FFC];
	_ =	sdelay $0x3  }
0x94: {  	_ =	strace s3  }
0x95: {  	s3 =	sld [smem:$0x3FFD];
	_ =	sdelay $0x3  }
0x96: {  	_ =	strace s3  }
0x97: {  	_ =	strace $0x8FFFFFFF  }
0x98: {  	s19 =	sld [smem:$0x3FDB];
	_ =	sdelay $0x1  }
0x99: {  	s4 =	simm.s32 $_scs_section_size  }
0x9a: {  	s5 =	simm.s32 $_size__tile_overlayer_lowered;
	s6 =	simm.s32 $_tile_overlayer_lowered  }
0x9b: {  	s22 =	simm.s32 $0x1BFF;
	s21 =	sshll.u32 s6, $0x1;
	s3 =	sadd.s32 s4, s19  }
0x9c: {  	s7 =	simm.s32 $0x0;
	s20 =	sshll.u32 s5, $0x1;
	s5 =	sadd.s32 s21, s3  }
0x9d: {  	[timem:s7], [sflag:s22] =	dma.local [hbm:s5], s20  }
0x9e: {  	_ =	swait.ge [sflag:s22], s20  }
0x9f: {  	s4 =	ssub.s32 $0x0, s20;
	[sflag:s22] =	ssyncset.done $0x0  }
0xa0: {  	[sflag:s22] =	ssyncadd.s32 s4;
	_ =	sdelay $0x1  }
0xa1: {  	s23 =	simm.s32 $0x1B8B  }
0xa2: {  	_ =	swait.ge [sflag:s23], $0x1  }
0xa3: {  	[sflag:s23] =	ssyncset.done $0x0  }
0xa4: {  	s25 =	simm.s32 $0x1B8E;
	s24 =	sld [smem:$0x3FFE];
	[sflag:s23] =	ssyncadd.s32 $0xFFFFFFFF  }
0xa5: {  	s26 =	simm.s32 $execute0_lowered;
	[smem:$0x3FD2] =	sst s25  }
0xa6: {  	s5 =	sshll.u32 s26, $0x1;
	_ =	strace $0x80000049;
	[dreg:$0x1] =	wrdreg $0xFFFFFFFF  }
0xa7: {  	s28 =	simm.s32 $_size_execute0_lowered;
	s3 =	sadd.s32 s3, s5;
	[dreg:$0x0] =	wrdreg $0x0  }
0xa8: {  	s5 =	sshll.u32 s28, $0x1;
	[dreg:$0x2] =	wrdreg s3  }
0xa9: {  	[dreg:$0x3] =	wrdreg s5  }
0xaa: {  	[dreg:$0x4] =	wrdreg $0xC0  }
0xab: {  	_ =	task [dreg:s7], $0x5FFFF  }
0xac: {  	[dreg:$0x1] =	wrdreg $0xFFFFFFFF  }
0xad: {  	[dreg:$0x0] =	wrdreg $0x60  }
0xae: {  	[dreg:$0x2] =	wrdreg s24  }
0xaf: {  	[dreg:$0x3] =	wrdreg s2  }
0xb0: {  	[dreg:$0x4] =	wrdreg $0x120000  }
0xb1: {  	[dreg:$0x5] =	wrdreg $0x9  }
0xb2: {  	_ =	task.clear_ibuf [dreg:s7], $0x6FFFF;
	_ =	strace $0x90000049  }
0xb3: {  	s29 =	simm.s32 $0x9;
	_ =	strace $0x8000004B  }
0xb4: {  	_ =	swait.ge [sflag:s29], $0x1  }
0xb5: {  	[sflag:s29] =	ssyncadd.s32 $0xFFFFFFFF  }
0xb6: {  	_ =	strace $0x9000004B  }
0xb7: {  	_ =	sfence  }
0xb8: {  	s30 =	sld [smem:$0x0];
	_ =	sdelay $0x2  }
0xb9: {  	s31 =	sshll.u32 s1, $0xD;
	s1 =	sshrl.u32 s1, $0x2  }
0xba: {  	s3 =	sand.u32 $0x4000, s31;
	s1 =	sadd.s32 s1, s30  }
0xbb: {  	s0 =	sor.u32 s3, s0;
	s1 =	sshll.u32 s1, $0x11  }
0xbc: {  	s0 =	sor.u32 s1, s0  }
0xbd: {  	s0 =	sadd.s32 $0x8F2B, s0  }
0xbe: {  	[sflag:s0] =	ssyncadd.remote.s32 $0x1  }
0xbf: {  	_ =	sfence.sel $0xFFFF  }
0xc0: {  	[dreg:$0x0] =	wrdreg $0xFFFFFFFF;
	(pc) =	sbr.abs _section_cstart, $3  }
0xc1: {  	[dreg:$0x1] =	wrdreg $0xFFFFFFFF  }
0xc2: {  	_ =	task.clear_ibuf [dreg:s7], $0x2FFFF;
	_ =	strace $0x9FFFFFFF  }
0xc3: {  	(tm) =	ssettm $0x7FFFFFFF  }
tec
execute0_lowered:
.L_overlay_start_1:
0x0: {  	(tag) =	ssettag $0x1  }
0x1: {  	s6 =	rddreg [dreg:$0x0]  }
0x2: {  	s7 =	rddreg [dreg:$0x1]  }
0x3: {  	s0 =	srdreg.scid;
	s2 =	rddreg [dreg:$0x2];
	s3 =	simm.s32 $0x0  }
0x4: {  	s15 =	simm.s32 $0xE000;
	s16 =	simm.s32 $0x1;
	s17 =	simm.s32 $0x2  }
0x5: {  	s18 =	simm.s32 $0x3;
	s5 =	sand.u32 $0x1, s0;
	s0 =	stileid.u32  }
0x6: {  	s19 =	simm.s32 $0x4;
	s20 =	simm.s32 $0x9F00;
	s22 =	smul.u32 $0x1480, s0  }
0x7: {  	s21 =	simm.s32 $0x9F80;
	[smem:$0x7FF] =	sst s3;
	s9 =	smul.u32 $0x14800, s5  }
0x8: {  	s4 =	sadd.s32 $0x2CC00, s6;
	s1 =	sshll.u32 s5, $0x4;
	s10 =	smul.u32 $0xA00, s0  }
0x9: {  	s5 =	ssub.s32 $0x2, s5;
	s11 =	smul.u32 $0x29000, s0;
	s1 =	sor.u32 s0, s1  }
0xa: {  	s31 =	sshll.u32 s0, $0x6;
	s29 =	sshrl.u32 s5, $0x1;
	s8 =	smul.u32 $0xA00, s1  }
0xb: {  	s1 =	rddreg [dreg:$0x3];
	_ =	strace $0x8000004A;
	s12 =	sadd.s32 s22, s6  }
0xc: {  	s9 =	sadd.s32 s9, s6;
	s13 =	ssub.s32 s5, s29;
	s5 =	sadd.s32 s7, s10  }
0xd: {  	s30 =	sshrl.u32 s11, $0x2;
	s10 =	simm.s32 $0x5000;
	s11 =	sor.u32 $0x1C05, s31  }
0xe: {  	s14 =	sadd.s32 s30, s2;
	s7 =	sadd.s32 $0x18400, s12;
	s23 =	sadd.s32 $0x54C00, s9  }
0xf: {  	s9 =	simm.s32 $0x5;
	s8 =	sadd.s32 s8, s6;
	s12 =	sshrl.u32 s14, $0x3  }
0x10: {  	s14 =	simm.s32 $0xA000;
	s22 =	sadd.s32 s22, s23;
	s23 =	simm.s32 $0x0  }
0x11: {  	s6 =	sadd.s32 $0x4400, s8;
	s8 =	smax.u32 s13, $0x1;
	s13 =	simm.s32 $0x80  }
.LBB2_1:
0x12: {  	[tilespmem:s3], [sflag:$0x5] =	stream.linear.gather [hbm4b:s5+s3], $0x5000, $0x38;
	[tilespmem:$0x1C400] =	vst v63  }
0x13: {  	_ =	swait.ge [sflag:s9], $0x5000  }
0x14: {  	[sflag:s9] =	ssyncset.done $0x0  }
0x15: {  	[sflag:s9] =	ssyncadd.s32 $0xFFFFB000  }
0x16: {  	[tilespmem:s10], [sflag:$0x5] =	stream.linear.gather [hbm4b:s6+s3], $0x5000, $0x38;
	[tilespmem:$0x1C400] =	vst v63  }
0x17: {  	_ =	swait.ge [sflag:s9], $0x5000  }
0x18: {  	[sflag:s9] =	ssyncset.done $0x0  }
0x19: {  	[sflag:s9] =	ssyncadd.s32 $0xFFFFB000  }
0x1a: {  	[spmem:s12], [sflag:s11] =	dma.local [hbm:s7], $0x1480  }
0x1b: {  	_ =	swait.ge [sflag:s9], $0x1480  }
0x1c: {  	[sflag:s9] =	ssyncset.done $0x0  }
0x1d: {  	[sflag:s9] =	ssyncadd.s32 $0xFFFFEB80  }
0x1e: {  	[bflag:$0x0] =	sbarrier.arrive $0xFFFF  }
0x1f: {  	[tilespmem:s14], [sflag:$0x1] =	stream.indirect.gather [hbm4b:s4+s13], $0x80, s3, s13, $0xb8;
	[tilespmem:$0x1C400] =	vst v63  }
0x20: {  	_ = 	snop  }
0x21: {  	[tilespmem:s15], [sflag:$0x2] =	stream.indirect.gather [hbm4b:s4+s13], $0x80, s13, s13, $0xb8;
	[tilespmem:$0x1C400] =	vst v63  }
0x22: {  	_ =	swait.ge [sflag:s16], $0x4000  }
0x23: {  	[sflag:s16] =	ssyncset.done $0x0  }
0x24: {  	s24 =	simm.s32 $0x5000;
	[sflag:s16] =	ssyncadd.s32 $0xFFFFC000  }
0x25: {  	[spmem:s2] =	stream.indirect.scatter.add.f32 [tilespmem:s14], [sflag:$0x3], $0x80, s24, s13, $0xb8;
	[tilespmem:$0x1C400] =	vst v63  }
0x26: {  	_ =	swait.ge [sflag:s17], $0x4000  }
0x27: {  	[sflag:s17] =	ssyncset.done $0x0  }
0x28: {  	s30 =	simm.s32 $0x5080;
	[sflag:s17] =	ssyncadd.s32 $0xFFFFC000  }
0x29: {  	[spmem:s2] =	stream.indirect.scatter.add.f32 [tilespmem:s15], [sflag:$0x4], $0x80, s30, s13, $0xb8;
	[tilespmem:$0x1C400] =	vst v63  }
0x2a: {  	_ =	swait.ge [sflag:s18], $0x4000  }
0x2b: {  	[sflag:s18] =	ssyncset.done $0x0  }
0x2c: {  	s31 =	simm.s32 $0x100;
	[sflag:s18] =	ssyncadd.s32 $0xFFFFC000  }
0x2d: {  	[tilespmem:s14], [sflag:$0x1] =	stream.indirect.gather [hbm4b:s4+s13], $0x80, s31, s13, $0xb8;
	[tilespmem:$0x1C400] =	vst v63  }
0x2e: {  	_ =	swait.ge [sflag:s19], $0x4000  }
0x2f: {  	[sflag:s19] =	ssyncset.done $0x0  }
0x30: {  	s25 =	simm.s32 $0x180;
	s24 =	simm.s32 $0x400;
	[sflag:s19] =	ssyncadd.s32 $0xFFFFC000  }
.LBB2_2:
0x31: {  	[tilespmem:s15], [sflag:$0x2] =	stream.indirect.gather [hbm4b:s4+s13], $0x80, s25, s13, $0xb8;
	[tilespmem:$0x1C400] =	vst v63  }
0x32: {  	s25 =	smov.u32 s24  }
0x33: {  	p0 =	sne.s32 s24, $0x13800;
	s24 =	sadd.s32 $0x400, s24;
	_ =	swait.ge [sflag:s16], $0x4000  }
0x34: {  	s25 =	sshra.s32 s25, $0x2;
	[sflag:s16] =	ssyncset.done $0x0  }
0x35: {  	s26 =	sadd.s32 $0x5000, s25;
	[sflag:s16] =	ssyncadd.s32 $0xFFFFC000  }
0x36: {  	[spmem:s2] =	stream.indirect.scatter.add.f32 [tilespmem:s14], [sflag:$0x3], $0x80, s26, s13, $0xb8;
	[tilespmem:$0x1C400] =	vst v63  }
0x37: {  	_ =	swait.ge [sflag:s17], $0x4000  }
0x38: {  	[sflag:s17] =	ssyncset.done $0x0  }
0x39: {  	s26 =	sadd.s32 $0x5080, s25;
	[sflag:s17] =	ssyncadd.s32 $0xFFFFC000  }
0x3a: {  	[spmem:s2] =	stream.indirect.scatter.add.f32 [tilespmem:s15], [sflag:$0x4], $0x80, s26, s13, $0xb8;
	[tilespmem:$0x1C400] =	vst v63  }
0x3b: {  	_ =	swait.ge [sflag:s18], $0x4000  }
0x3c: {  	[sflag:s18] =	ssyncset.done $0x0  }
.Ltmp0:
0x3d: {  	s26 =	sadd.s32 $0x100, s25;
	[sflag:s18] =	ssyncadd.s32 $0xFFFFC000;
	(pc) =	sbr.rel @p0 .LBB2_2-.Ltmp0, $4  }
0x3e: {  	[tilespmem:s14], [sflag:$0x1] =	stream.indirect.gather [hbm4b:s4+s13], $0x80, s26, s13, $0xb8;
	[tilespmem:$0x1C400] =	vst v63  }
0x3f: {  	_ =	swait.ge [sflag:s19], $0x4000  }
0x40: {  	[sflag:s19] =	ssyncset.done $0x0  }
0x41: {  	s25 =	sadd.s32 $0x180, s25;
	[sflag:s19] =	ssyncadd.s32 $0xFFFFC000  }
0x42: {  	[tilespmem:s15], [sflag:$0x2] =	stream.indirect.gather [hbm4b:s4+s13], $0x80, s25, s13, $0xb8;
	[tilespmem:$0x1C400] =	vst v63  }
0x43: {  	_ =	swait.ge [sflag:s16], $0x4000  }
0x44: {  	[sflag:s16] =	ssyncset.done $0x0  }
0x45: {  	[sflag:s16] =	ssyncadd.s32 $0xFFFFC000  }
0x46: {  	[spmem:s2] =	stream.indirect.scatter.add.f32 [tilespmem:s14], [sflag:$0x3], $0x80, s20, s13, $0xb8;
	[tilespmem:$0x1C400] =	vst v63  }
0x47: {  	_ =	swait.ge [sflag:s17], $0x4000  }
0x48: {  	[sflag:s17] =	ssyncset.done $0x0  }
0x49: {  	[sflag:s17] =	ssyncadd.s32 $0xFFFFC000  }
0x4a: {  	[spmem:s2] =	stream.indirect.scatter.add.f32 [tilespmem:s15], [sflag:$0x4], $0x80, s21, s13, $0xb8;
	[tilespmem:$0x1C400] =	vst v63  }
0x4b: {  	_ =	swait.ge [sflag:s18], $0x4000  }
0x4c: {  	[sflag:s18] =	ssyncset.done $0x0  }
0x4d: {  	[sflag:s18] =	ssyncadd.s32 $0xFFFFC000  }
0x4e: {  	_ =	swait.ge [sflag:s19], $0x4000  }
0x4f: {  	s23 =	sadd.s32 $0x1, s23;
	[sflag:s19] =	ssyncset.done $0x0  }
0x50: {  	p0 =	sne.s32 s23, s8;
	[sflag:s19] =	ssyncadd.s32 $0xFFFFC000  }
.Ltmp1:
0x51: {  	[bflag:$0x0] =	sbarrier.arrive $0xFFFF;
	(pc) =	sbr.rel @p0 .LBB2_1-.Ltmp1, $4  }
0x52: {  	[hbm:s22], [sflag:s11] =	dma.local [spmem:s12], $0x1480  }
0x53: {  	_ =	swait.ge [sflag:s9], $0x1480  }
0x54: {  	[sflag:s9] =	ssyncset.done $0x0  }
0x55: {  	[sflag:s9] =	ssyncadd.s32 $0xFFFFEB80  }
0x56: {  	_ =	sfence.sel $0x180000  }
0x57: {  	[bflag:$0x0] =	sbarrier.arrive $0xFFFF  }
0x58: {  	p0 =	sne.s32 s0, $0x0;
	_ =	strace $0x9000004A  }
0x59: {  	s0 =	sadd.s32 @!p0 $0x100000, s1;
	[bflag:$0x2] =	sbarrier.arrive $0xFFFF  }
0x5a: {  	[sflag:s0] =	ssyncadd.tile.s32 @!p0 $0x1;
	_ =	shalt  }
.Lfunc_end2:
_tile_overlayer_lowered:
.L_overlay_start_2:
0x5b: {  	(tag) =	ssettag $0x2  }
0x5c: {  	s0 =	rddreg [dreg:$0x0];
	s2 =	stileid.u32  }
0x5d: {  	s1 =	rddreg [dreg:$0x1];
	p0 =	sne.s32 s2, $0x0  }
0x5e: {  	s3 =	rddreg [dreg:$0x2];
	[bflag:$0x3] =	sbarrier.arrive $0xFFFF;
	s2 =	simm.s32 @!p0 $0x1C05  }
0x5f: {  	[timem:s3], [sflag:s2] =	dma.local @!p0 [hbm:s0], s1  }
0x60: {  	s0 =	simm.s32 @!p0 $0x5  }
0x61: {  	_ =	swait.ge @!p0 [sflag:s0], s1  }
0x62: {  	s1 =	ssub.s32 @!p0 $0x0, s1;
	[sflag:s0] =	ssyncset.done @!p0 $0x0  }
0x63: {  	[sflag:s0] =	ssyncadd.s32 @!p0 s1  }
0x64: {  	[bflag:$0x3] =	sbarrier.arrive $0xFFFF  }
0x65: {  	_ =	shalt  }

// kernel: kernel.14.cloned.1.call-start
scs
__scs_entry_jumppad:
0x0: {  	(pc) =	sbr.rel $0x88, $3  }
0x1: {  	(tag) =	ssettag $0x0;
	lr =	simm.s32 $0x1  }
0x2: {  	[smem:$0x3F92] =	sst lr;
	_ =	strace $0xD0000000  }
0x3: {  	_ = 	snop  }
0x4: {  	_ = 	snop  }
0x5: {  	_ = 	snop  }
0x6: {  	_ = 	snop  }
0x7: {  	_ = 	snop  }
__scs_overlays_trampoline_lowered:
0x8: {  	[smem:$0x3FA1] =	sst s0  }
0x9: {  	[smem:$0x3FA2] =	sst s1  }
0xa: {  	[smem:$0x3FA3] =	sst s2  }
0xb: {  	[smem:$0x3FA4] =	sst s3  }
0xc: {  	[smem:$0x3FA5] =	sst s4  }
0xd: {  	[smem:$0x3FA6] =	sst s5  }
0xe: {  	[smem:$0x3FA7] =	sst s6  }
0xf: {  	[smem:$0x3FA8] =	sst s7  }
0x10: {  	[smem:$0x3FA9] =	sst s8  }
0x11: {  	[smem:$0x3FAA] =	sst s9;
	s0 =	simm.s32 @!p0 $0x0  }
0x12: {  	s1 =	sld [smem:$0x3F90];
	s0 =	simm.s32 @p0 $0x1  }
0x13: {  	[smem:$0x3FAB] =	sst s0;
	s0 =	simm.s32 @!p1 $0x0  }
0x14: {  	s2 =	sld [smem:$0x3F8F];
	s0 =	simm.s32 @p1 $0x1  }
0x15: {  	[smem:$0x3FAC] =	sst s0;
	s0 =	simm.s32 @!p2 $0x0  }
0x16: {  	s3 =	sld [smem:$0x3FDB];
	s0 =	simm.s32 @p2 $0x1  }
0x17: {  	s4 =	simm.s32 $0x1BF5;
	[smem:$0x3FAE] =	sst s0  }
0x18: {  	s0 =	sld [smem:$0x3F91];
	_ =	swait.ge [sflag:s4], $0x0  }
0x19: {  	s7 =	sld [smem:$0x3F92]  }
0x1a: {  	s8 =	sadd.s32 $0xFFFFE003, lr  }
0x1b: {  	s9 =	sadd.s32 $0xFFFFFEF7, lr;
	s5 =	simm.s32 $0xFFFFFFFF;
	p2 =	slt.u32 s8, $0xFFFFF086  }
0x1c: {  	p1 =	slt.u32 s9, $0xF7A;
	s5 =	simm.s32 @!p2 $0x0  }
0x1d: {  	s5 =	simm.s32 @p1 $0x1;
	p0 =	seq.s32 s7, s2  }
0x1e: {  	s7 =	smul.u32 @!p0 $0xF7A, s2;
	p2 =	seq.s32 @!p0 s5, $0x0  }
0x1f: {  	s9 =	smul.u32 $0xF7A, s1;
	s8 =	simm.s32 @!p0 $0x1BF5;
	p2 =	por !p2, p0  }
0x20: {  	[sflag:s8] =	ssyncset.s32 @!p0 $0xFFFFF086;
	s6 =	sadd.s32 @!p0 s3, s7;
	s7 =	simm.s32 @!p0 $0x108  }
0x21: {  	s3 =	sadd.s32 s3, s9;
	s6 =	sadd.s32 @!p0 $0x88, s6;
	s7 =	simm.s32 @p2 $0x1082  }
0x22: {  	[simem:s7], [sflag:s8] =	dma.local @!p0 [hbm:s6], $0xF7A  }
0x23: {  	s9 =	sor.u32 $0xD0000000, s2;
	s6 =	simm.s32 $0x108;
	_ =	swait.ge @!p0 [sflag:s8], $0x0  }
0x24: {  	s3 =	sadd.s32 $0x88, s3;
	s6 =	simm.s32 @!p1 $0x1082;
	[sflag:s4] =	ssyncset.s32 $0xFFFFF086  }
0x25: {  	[simem:s6], [sflag:s4] =	dma.local [hbm:s3], $0xF7A  }
0x26: {  	[smem:$0x3F92] =	sst s1;
	(tag) =	ssettag s2;
	_ =	strace s9  }
0x27: {  	s1 =	sld [smem:$0x3FA2]  }
0x28: {  	s2 =	sld [smem:$0x3FA3]  }
0x29: {  	s4 =	sld [smem:$0x3FA5]  }
0x2a: {  	p0 =	seq.s32 s5, $0x0;
	s5 =	sld [smem:$0x3FA6]  }
0x2b: {  	s6 =	sld [smem:$0x3FA7]  }
0x2c: {  	s7 =	sld [smem:$0x3FA8]  }
0x2d: {  	s3 =	simm.s32 $0x108;
	s8 =	sld [smem:$0x3FA9]  }
0x2e: {  	s3 =	simm.s32 @!p0 $0x1082;
	s9 =	sld [smem:$0x3FAA]  }
0x2f: {  	lr =	sadd.s32 s0, s3;
	s0 =	sld [smem:$0x3FA1]  }
0x30: {  	s3 =	sld [smem:$0x3FA4]  }
0x31: {  	[smem:$0x3FAD] =	sst s10  }
0x32: {  	s10 =	sld [smem:$0x3FAB];
	_ =	sdelay $0x3  }
0x33: {  	p0 =	seq.s32 s10, $0x1;
	s10 =	sld [smem:$0x3FAD];
	_ =	sdelay $0x3  }
0x34: {  	[smem:$0x3FAD] =	sst s10  }
0x35: {  	s10 =	sld [smem:$0x3FAC];
	_ =	sdelay $0x3  }
0x36: {  	p1 =	seq.s32 s10, $0x1;
	s10 =	sld [smem:$0x3FAD];
	_ =	sdelay $0x3  }
0x37: {  	[smem:$0x3FAD] =	sst s10  }
0x38: {  	s10 =	sld [smem:$0x3FAE]  }
0x39: {  	_ = 	snop;
	(pc) =	sbr.ind lr, $3  }
0x3a: {  	_ = 	snop  }
0x3b: {  	_ = 	snop  }
0x3c: {  	p2 =	seq.s32 s10, $0x1;
	s10 =	sld [smem:$0x3FAD]  }
0x3d: {  	_ =	shalt  }
0x3e: {  	_ =	shalt  }
0x3f: {  	_ =	shalt  }
0x40: {  	_ =	shalt  }
0x41: {  	_ =	shalt  }
0x42: {  	_ =	shalt  }
0x43: {  	_ =	shalt  }
0x44: {  	_ =	shalt  }
0x45: {  	_ =	shalt  }
0x46: {  	_ =	shalt  }
0x47: {  	_ =	shalt  }
0x48: {  	_ =	shalt  }
0x49: {  	_ =	shalt  }
0x4a: {  	_ =	shalt  }
0x4b: {  	_ =	shalt  }
0x4c: {  	_ =	shalt  }
0x4d: {  	_ =	shalt  }
0x4e: {  	_ =	shalt  }
0x4f: {  	_ =	shalt  }
0x50: {  	_ =	shalt  }
0x51: {  	_ =	shalt  }
0x52: {  	_ =	shalt  }
0x53: {  	_ =	shalt  }
0x54: {  	_ =	shalt  }
0x55: {  	_ =	shalt  }
0x56: {  	_ =	shalt  }
0x57: {  	_ =	shalt  }
0x58: {  	_ =	shalt  }
0x59: {  	_ =	shalt  }
0x5a: {  	_ =	shalt  }
0x5b: {  	_ =	shalt  }
0x5c: {  	_ =	shalt  }
0x5d: {  	_ =	shalt  }
0x5e: {  	_ =	shalt  }
0x5f: {  	_ =	shalt  }
0x60: {  	_ =	shalt  }
0x61: {  	_ =	shalt  }
0x62: {  	_ =	shalt  }
0x63: {  	_ =	shalt  }
0x64: {  	_ =	shalt  }
0x65: {  	_ =	shalt  }
0x66: {  	_ =	shalt  }
0x67: {  	_ =	shalt  }
0x68: {  	_ =	shalt  }
0x69: {  	_ =	shalt  }
0x6a: {  	_ =	shalt  }
0x6b: {  	_ =	shalt  }
0x6c: {  	_ =	shalt  }
0x6d: {  	_ =	shalt  }
0x6e: {  	_ =	shalt  }
0x6f: {  	_ =	shalt  }
0x70: {  	_ =	shalt  }
0x71: {  	_ =	shalt  }
0x72: {  	_ =	shalt  }
0x73: {  	_ =	shalt  }
0x74: {  	_ =	shalt  }
0x75: {  	_ =	shalt  }
0x76: {  	_ =	shalt  }
0x77: {  	_ =	shalt  }
0x78: {  	_ =	shalt  }
0x79: {  	_ =	shalt  }
0x7a: {  	_ =	shalt  }
0x7b: {  	_ =	shalt  }
0x7c: {  	_ =	shalt  }
0x7d: {  	_ =	shalt  }
0x7e: {  	_ =	shalt  }
0x7f: {  	_ =	shalt  }
0x80: {  	_ =	shalt  }
0x81: {  	_ =	shalt  }
0x82: {  	_ =	shalt  }
0x83: {  	_ =	shalt  }
0x84: {  	_ =	shalt  }
0x85: {  	_ =	shalt  }
0x86: {  	_ =	shalt  }
0x87: {  	_ =	shalt  }
.Lfunc_end0:
.L_simem_size_0:
called_computation.2_lowered:
.L_overlay_start_0:
0x88: {  	s2 =	sld [smem:$0x3FD9]  }
0x89: {  	s3 =	sld [smem:$0x3FFE];
	_ =	sdelay $0x1  }
0x8a: {  	s1 =	srdreg.scid  }
0x8b: {  	s0 =	sand.u32 $0x1, s1  }
0x8c: {  	s17 =	sshll.u32 s0, $0xA;
	s2 =	sadd.s32 s3, s2  }
0x8d: {  	s2 =	sadd.s32 s2, s17  }
0x8e: {  	[smem:$0x3FB9] =	sst s2  }
0x8f: {  	_ = 	snop  }
0x90: {  	s2 =	sld [smem:$0x3FD0];
	(tm) =	ssettm $0x1  }
0x91: {  	s18 =	sld [smem:$0x3FFB];
	_ =	sdelay $0x3  }
0x92: {  	_ =	strace s18  }
0x93: {  	s3 =	sld [smem:$0x3FFC];
	_ =	sdelay $0x3  }
0x94: {  	_ =	strace s3  }
0x95: {  	s3 =	sld [smem:$0x3FFD];
	_ =	sdelay $0x3  }
0x96: {  	_ =	strace s3  }
0x97: {  	_ =	strace $0x8FFFFFFF  }
0x98: {  	s19 =	sld [smem:$0x3FDB];
	_ =	sdelay $0x1  }
0x99: {  	s4 =	simm.s32 $_scs_section_size  }
0x9a: {  	s5 =	simm.s32 $_size__tile_overlayer_lowered;
	s6 =	simm.s32 $_tile_overlayer_lowered  }
0x9b: {  	s22 =	simm.s32 $0x1BFF;
	s21 =	sshll.u32 s6, $0x1;
	s3 =	sadd.s32 s4, s19  }
0x9c: {  	s7 =	simm.s32 $0x0;
	s20 =	sshll.u32 s5, $0x1;
	s5 =	sadd.s32 s21, s3  }
0x9d: {  	[timem:s7], [sflag:s22] =	dma.local [hbm:s5], s20  }
0x9e: {  	_ =	swait.ge [sflag:s22], s20  }
0x9f: {  	s4 =	ssub.s32 $0x0, s20;
	[sflag:s22] =	ssyncset.done $0x0  }
0xa0: {  	[sflag:s22] =	ssyncadd.s32 s4;
	_ =	sdelay $0x1  }
0xa1: {  	s23 =	simm.s32 $0x1B8B  }
0xa2: {  	_ =	swait.ge [sflag:s23], $0x1  }
0xa3: {  	[sflag:s23] =	ssyncset.done $0x0  }
0xa4: {  	s25 =	simm.s32 $0x1B8E;
	s24 =	sld [smem:$0x3FFE];
	[sflag:s23] =	ssyncadd.s32 $0xFFFFFFFF  }
0xa5: {  	s26 =	simm.s32 $execute0_lowered;
	[smem:$0x3FD2] =	sst s25  }
0xa6: {  	s5 =	sshll.u32 s26, $0x1;
	_ =	strace $0x8000004C;
	[dreg:$0x1] =	wrdreg $0xFFFFFFFF  }
0xa7: {  	s28 =	simm.s32 $_size_execute0_lowered;
	s3 =	sadd.s32 s3, s5;
	[dreg:$0x0] =	wrdreg $0x0  }
0xa8: {  	s5 =	sshll.u32 s28, $0x1;
	[dreg:$0x2] =	wrdreg s3  }
0xa9: {  	[dreg:$0x3] =	wrdreg s5  }
0xaa: {  	[dreg:$0x4] =	wrdreg $0xC0  }
0xab: {  	_ =	task [dreg:s7], $0x5FFFF  }
0xac: {  	[dreg:$0x1] =	wrdreg $0xFFFFFFFF  }
0xad: {  	[dreg:$0x0] =	wrdreg $0x60  }
0xae: {  	[dreg:$0x2] =	wrdreg s24  }
0xaf: {  	[dreg:$0x3] =	wrdreg s2  }
0xb0: {  	[dreg:$0x4] =	wrdreg $0x120000  }
0xb1: {  	[dreg:$0x5] =	wrdreg $0x9  }
0xb2: {  	_ =	task.clear_ibuf [dreg:s7], $0x6FFFF;
	_ =	strace $0x9000004C  }
0xb3: {  	s29 =	simm.s32 $0x9;
	_ =	strace $0x8000004E  }
0xb4: {  	_ =	swait.ge [sflag:s29], $0x1  }
0xb5: {  	[sflag:s29] =	ssyncadd.s32 $0xFFFFFFFF  }
0xb6: {  	_ =	strace $0x9000004E  }
0xb7: {  	_ =	sfence  }
0xb8: {  	s30 =	sld [smem:$0x0];
	_ =	sdelay $0x2  }
0xb9: {  	s31 =	sshll.u32 s1, $0xD;
	s1 =	sshrl.u32 s1, $0x2  }
0xba: {  	s3 =	sand.u32 $0x4000, s31;
	s1 =	sadd.s32 s1, s30  }
0xbb: {  	s0 =	sor.u32 s3, s0;
	s1 =	sshll.u32 s1, $0x11  }
0xbc: {  	s0 =	sor.u32 s1, s0  }
0xbd: {  	s0 =	sadd.s32 $0x8F2B, s0  }
0xbe: {  	[sflag:s0] =	ssyncadd.remote.s32 $0x1  }
0xbf: {  	_ =	sfence.sel $0xFFFF  }
0xc0: {  	[dreg:$0x0] =	wrdreg $0xFFFFFFFF;
	(pc) =	sbr.abs _section_cstart, $3  }
0xc1: {  	[dreg:$0x1] =	wrdreg $0xFFFFFFFF  }
0xc2: {  	_ =	task.clear_ibuf [dreg:s7], $0x2FFFF;
	_ =	strace $0x9FFFFFFF  }
0xc3: {  	(tm) =	ssettm $0x7FFFFFFF  }
tec
execute0_lowered:
.L_overlay_start_1:
0x0: {  	(tag) =	ssettag $0x1  }
0x1: {  	s6 =	rddreg [dreg:$0x0]  }
0x2: {  	s7 =	rddreg [dreg:$0x1]  }
0x3: {  	s0 =	srdreg.scid;
	s2 =	rddreg [dreg:$0x2];
	s3 =	simm.s32 $0x0  }
0x4: {  	s15 =	simm.s32 $0xE000;
	s16 =	simm.s32 $0x1;
	s17 =	simm.s32 $0x2  }
0x5: {  	s18 =	simm.s32 $0x3;
	s5 =	sand.u32 $0x1, s0;
	s0 =	stileid.u32  }
0x6: {  	s19 =	simm.s32 $0x4;
	s20 =	simm.s32 $0x9F00;
	s22 =	smul.u32 $0x1480, s0  }
0x7: {  	s21 =	simm.s32 $0x9F80;
	[smem:$0x7FF] =	sst s3;
	s9 =	smul.u32 $0x14800, s5  }
0x8: {  	s4 =	sadd.s32 $0x2CC00, s6;
	s1 =	sshll.u32 s5, $0x4;
	s10 =	smul.u32 $0xA00, s0  }
0x9: {  	s5 =	ssub.s32 $0x2, s5;
	s11 =	smul.u32 $0x29000, s0;
	s1 =	sor.u32 s0, s1  }
0xa: {  	s31 =	sshll.u32 s0, $0x6;
	s29 =	sshrl.u32 s5, $0x1;
	s8 =	smul.u32 $0xA00, s1  }
0xb: {  	s1 =	rddreg [dreg:$0x3];
	_ =	strace $0x8000004D;
	s12 =	sadd.s32 s22, s6  }
0xc: {  	s9 =	sadd.s32 s9, s6;
	s13 =	ssub.s32 s5, s29;
	s5 =	sadd.s32 s7, s10  }
0xd: {  	s30 =	sshrl.u32 s11, $0x2;
	s10 =	simm.s32 $0x5000;
	s11 =	sor.u32 $0x1C05, s31  }
0xe: {  	s14 =	sadd.s32 s30, s2;
	s7 =	sadd.s32 $0x18400, s12;
	s23 =	sadd.s32 $0x54C00, s9  }
0xf: {  	s9 =	simm.s32 $0x5;
	s8 =	sadd.s32 s8, s6;
	s12 =	sshrl.u32 s14, $0x3  }
0x10: {  	s14 =	simm.s32 $0xA000;
	s22 =	sadd.s32 s22, s23;
	s23 =	simm.s32 $0x0  }
0x11: {  	s6 =	sadd.s32 $0x4400, s8;
	s8 =	smax.u32 s13, $0x1;
	s13 =	simm.s32 $0x80  }
.LBB2_1:
0x12: {  	[tilespmem:s3], [sflag:$0x5] =	stream.linear.gather [hbm4b:s5+s3], $0x5000, $0x38;
	[tilespmem:$0x1C400] =	vst v63  }
0x13: {  	_ =	swait.ge [sflag:s9], $0x5000  }
0x14: {  	[sflag:s9] =	ssyncset.done $0x0  }
0x15: {  	[sflag:s9] =	ssyncadd.s32 $0xFFFFB000  }
0x16: {  	[tilespmem:s10], [sflag:$0x5] =	stream.linear.gather [hbm4b:s6+s3], $0x5000, $0x38;
	[tilespmem:$0x1C400] =	vst v63  }
0x17: {  	_ =	swait.ge [sflag:s9], $0x5000  }
0x18: {  	[sflag:s9] =	ssyncset.done $0x0  }
0x19: {  	[sflag:s9] =	ssyncadd.s32 $0xFFFFB000  }
0x1a: {  	[spmem:s12], [sflag:s11] =	dma.local [hbm:s7], $0x1480  }
0x1b: {  	_ =	swait.ge [sflag:s9], $0x1480  }
0x1c: {  	[sflag:s9] =	ssyncset.done $0x0  }
0x1d: {  	[sflag:s9] =	ssyncadd.s32 $0xFFFFEB80  }
0x1e: {  	[bflag:$0x0] =	sbarrier.arrive $0xFFFF  }
0x1f: {  	[tilespmem:s14], [sflag:$0x1] =	stream.indirect.gather [hbm4b:s4+s13], $0x80, s3, s13, $0xb8;
	[tilespmem:$0x1C400] =	vst v63  }
0x20: {  	_ = 	snop  }
0x21: {  	[tilespmem:s15], [sflag:$0x2] =	stream.indirect.gather [hbm4b:s4+s13], $0x80, s13, s13, $0xb8;
	[tilespmem:$0x1C400] =	vst v63  }
0x22: {  	_ =	swait.ge [sflag:s16], $0x4000  }
0x23: {  	[sflag:s16] =	ssyncset.done $0x0  }
0x24: {  	s24 =	simm.s32 $0x5000;
	[sflag:s16] =	ssyncadd.s32 $0xFFFFC000  }
0x25: {  	[spmem:s2] =	stream.indirect.scatter.add.f32 [tilespmem:s14], [sflag:$0x3], $0x80, s24, s13, $0xb8;
	[tilespmem:$0x1C400] =	vst v63  }
0x26: {  	_ =	swait.ge [sflag:s17], $0x4000  }
0x27: {  	[sflag:s17] =	ssyncset.done $0x0  }
0x28: {  	s30 =	simm.s32 $0x5080;
	[sflag:s17] =	ssyncadd.s32 $0xFFFFC000  }
0x29: {  	[spmem:s2] =	stream.indirect.scatter.add.f32 [tilespmem:s15], [sflag:$0x4], $0x80, s30, s13, $0xb8;
	[tilespmem:$0x1C400] =	vst v63  }
0x2a: {  	_ =	swait.ge [sflag:s18], $0x4000  }
0x2b: {  	[sflag:s18] =	ssyncset.done $0x0  }
0x2c: {  	s31 =	simm.s32 $0x100;
	[sflag:s18] =	ssyncadd.s32 $0xFFFFC000  }
0x2d: {  	[tilespmem:s14], [sflag:$0x1] =	stream.indirect.gather [hbm4b:s4+s13], $0x80, s31, s13, $0xb8;
	[tilespmem:$0x1C400] =	vst v63  }
0x2e: {  	_ =	swait.ge [sflag:s19], $0x4000  }
0x2f: {  	[sflag:s19] =	ssyncset.done $0x0  }
0x30: {  	s25 =	simm.s32 $0x180;
	s24 =	simm.s32 $0x400;
	[sflag:s19] =	ssyncadd.s32 $0xFFFFC000  }
.LBB2_2:
0x31: {  	[tilespmem:s15], [sflag:$0x2] =	stream.indirect.gather [hbm4b:s4+s13], $0x80, s25, s13, $0xb8;
	[tilespmem:$0x1C400] =	vst v63  }
0x32: {  	s25 =	smov.u32 s24  }
0x33: {  	p0 =	sne.s32 s24, $0x13800;
	s24 =	sadd.s32 $0x400, s24;
	_ =	swait.ge [sflag:s16], $0x4000  }
0x34: {  	s25 =	sshra.s32 s25, $0x2;
	[sflag:s16] =	ssyncset.done $0x0  }
0x35: {  	s26 =	sadd.s32 $0x5000, s25;
	[sflag:s16] =	ssyncadd.s32 $0xFFFFC000  }
0x36: {  	[spmem:s2] =	stream.indirect.scatter.add.f32 [tilespmem:s14], [sflag:$0x3], $0x80, s26, s13, $0xb8;
	[tilespmem:$0x1C400] =	vst v63  }
0x37: {  	_ =	swait.ge [sflag:s17], $0x4000  }
0x38: {  	[sflag:s17] =	ssyncset.done $0x0  }
0x39: {  	s26 =	sadd.s32 $0x5080, s25;
	[sflag:s17] =	ssyncadd.s32 $0xFFFFC000  }
0x3a: {  	[spmem:s2] =	stream.indirect.scatter.add.f32 [tilespmem:s15], [sflag:$0x4], $0x80, s26, s13, $0xb8;
	[tilespmem:$0x1C400] =	vst v63  }
0x3b: {  	_ =	swait.ge [sflag:s18], $0x4000  }
0x3c: {  	[sflag:s18] =	ssyncset.done $0x0  }
.Ltmp0:
0x3d: {  	s26 =	sadd.s32 $0x100, s25;
	[sflag:s18] =	ssyncadd.s32 $0xFFFFC000;
	(pc) =	sbr.rel @p0 .LBB2_2-.Ltmp0, $4  }
0x3e: {  	[tilespmem:s14], [sflag:$0x1] =	stream.indirect.gather [hbm4b:s4+s13], $0x80, s26, s13, $0xb8;
	[tilespmem:$0x1C400] =	vst v63  }
0x3f: {  	_ =	swait.ge [sflag:s19], $0x4000  }
0x40: {  	[sflag:s19] =	ssyncset.done $0x0  }
0x41: {  	s25 =	sadd.s32 $0x180, s25;
	[sflag:s19] =	ssyncadd.s32 $0xFFFFC000  }
0x42: {  	[tilespmem:s15], [sflag:$0x2] =	stream.indirect.gather [hbm4b:s4+s13], $0x80, s25, s13, $0xb8;
	[tilespmem:$0x1C400] =	vst v63  }
0x43: {  	_ =	swait.ge [sflag:s16], $0x4000  }
0x44: {  	[sflag:s16] =	ssyncset.done $0x0  }
0x45: {  	[sflag:s16] =	ssyncadd.s32 $0xFFFFC000  }
0x46: {  	[spmem:s2] =	stream.indirect.scatter.add.f32 [tilespmem:s14], [sflag:$0x3], $0x80, s20, s13, $0xb8;
	[tilespmem:$0x1C400] =	vst v63  }
0x47: {  	_ =	swait.ge [sflag:s17], $0x4000  }
0x48: {  	[sflag:s17] =	ssyncset.done $0x0  }
0x49: {  	[sflag:s17] =	ssyncadd.s32 $0xFFFFC000  }
0x4a: {  	[spmem:s2] =	stream.indirect.scatter.add.f32 [tilespmem:s15], [sflag:$0x4], $0x80, s21, s13, $0xb8;
	[tilespmem:$0x1C400] =	vst v63  }
0x4b: {  	_ =	swait.ge [sflag:s18], $0x4000  }
0x4c: {  	[sflag:s18] =	ssyncset.done $0x0  }
0x4d: {  	[sflag:s18] =	ssyncadd.s32 $0xFFFFC000  }
0x4e: {  	_ =	swait.ge [sflag:s19], $0x4000  }
0x4f: {  	s23 =	sadd.s32 $0x1, s23;
	[sflag:s19] =	ssyncset.done $0x0  }
0x50: {  	p0 =	sne.s32 s23, s8;
	[sflag:s19] =	ssyncadd.s32 $0xFFFFC000  }
.Ltmp1:
0x51: {  	[bflag:$0x0] =	sbarrier.arrive $0xFFFF;
	(pc) =	sbr.rel @p0 .LBB2_1-.Ltmp1, $4  }
0x52: {  	[hbm:s22], [sflag:s11] =	dma.local [spmem:s12], $0x1480  }
0x53: {  	_ =	swait.ge [sflag:s9], $0x1480  }
0x54: {  	[sflag:s9] =	ssyncset.done $0x0  }
0x55: {  	[sflag:s9] =	ssyncadd.s32 $0xFFFFEB80  }
0x56: {  	_ =	sfence.sel $0x180000  }
0x57: {  	[bflag:$0x0] =	sbarrier.arrive $0xFFFF  }
0x58: {  	p0 =	sne.s32 s0, $0x0;
	_ =	strace $0x9000004D  }
0x59: {  	s0 =	sadd.s32 @!p0 $0x100000, s1;
	[bflag:$0x2] =	sbarrier.arrive $0xFFFF  }
0x5a: {  	[sflag:s0] =	ssyncadd.tile.s32 @!p0 $0x1;
	_ =	shalt  }
.Lfunc_end2:
_tile_overlayer_lowered:
.L_overlay_start_2:
0x5b: {  	(tag) =	ssettag $0x2  }
0x5c: {  	s0 =	rddreg [dreg:$0x0];
	s2 =	stileid.u32  }
0x5d: {  	s1 =	rddreg [dreg:$0x1];
	p0 =	sne.s32 s2, $0x0  }
0x5e: {  	s3 =	rddreg [dreg:$0x2];
	[bflag:$0x3] =	sbarrier.arrive $0xFFFF;
	s2 =	simm.s32 @!p0 $0x1C05  }
0x5f: {  	[timem:s3], [sflag:s2] =	dma.local @!p0 [hbm:s0], s1  }
0x60: {  	s0 =	simm.s32 @!p0 $0x5  }
0x61: {  	_ =	swait.ge @!p0 [sflag:s0], s1  }
0x62: {  	s1 =	ssub.s32 @!p0 $0x0, s1;
	[sflag:s0] =	ssyncset.done @!p0 $0x0  }
0x63: {  	[sflag:s0] =	ssyncadd.s32 @!p0 s1  }
0x64: {  	[bflag:$0x3] =	sbarrier.arrive $0xFFFF  }
0x65: {  	_ =	shalt  }

// kernel: kernel.8.cloned.1.call-start
scs
__scs_entry_jumppad:
0x0: {  	(pc) =	sbr.rel $0x88, $3  }
0x1: {  	(tag) =	ssettag $0x0;
	lr =	simm.s32 $0x1  }
0x2: {  	[smem:$0x3F92] =	sst lr;
	_ =	strace $0xD0000000  }
0x3: {  	_ = 	snop  }
0x4: {  	_ = 	snop  }
0x5: {  	_ = 	snop  }
0x6: {  	_ = 	snop  }
0x7: {  	_ = 	snop  }
__scs_overlays_trampoline_lowered:
0x8: {  	[smem:$0x3FA1] =	sst s0  }
0x9: {  	[smem:$0x3FA2] =	sst s1  }
0xa: {  	[smem:$0x3FA3] =	sst s2  }
0xb: {  	[smem:$0x3FA4] =	sst s3  }
0xc: {  	[smem:$0x3FA5] =	sst s4  }
0xd: {  	[smem:$0x3FA6] =	sst s5  }
0xe: {  	[smem:$0x3FA7] =	sst s6  }
0xf: {  	[smem:$0x3FA8] =	sst s7  }
0x10: {  	[smem:$0x3FA9] =	sst s8  }
0x11: {  	[smem:$0x3FAA] =	sst s9;
	s0 =	simm.s32 @!p0 $0x0  }
0x12: {  	s1 =	sld [smem:$0x3F90];
	s0 =	simm.s32 @p0 $0x1  }
0x13: {  	[smem:$0x3FAB] =	sst s0;
	s0 =	simm.s32 @!p1 $0x0  }
0x14: {  	s2 =	sld [smem:$0x3F8F];
	s0 =	simm.s32 @p1 $0x1  }
0x15: {  	[smem:$0x3FAC] =	sst s0;
	s0 =	simm.s32 @!p2 $0x0  }
0x16: {  	s3 =	sld [smem:$0x3FDB];
	s0 =	simm.s32 @p2 $0x1  }
0x17: {  	s4 =	simm.s32 $0x1BF5;
	[smem:$0x3FAE] =	sst s0  }
0x18: {  	s0 =	sld [smem:$0x3F91];
	_ =	swait.ge [sflag:s4], $0x0  }
0x19: {  	s7 =	sld [smem:$0x3F92]  }
0x1a: {  	s8 =	sadd.s32 $0xFFFFE003, lr  }
0x1b: {  	s9 =	sadd.s32 $0xFFFFFEF7, lr;
	s5 =	simm.s32 $0xFFFFFFFF;
	p2 =	slt.u32 s8, $0xFFFFF086  }
0x1c: {  	p1 =	slt.u32 s9, $0xF7A;
	s5 =	simm.s32 @!p2 $0x0  }
0x1d: {  	s5 =	simm.s32 @p1 $0x1;
	p0 =	seq.s32 s7, s2  }
0x1e: {  	s7 =	smul.u32 @!p0 $0xF7A, s2;
	p2 =	seq.s32 @!p0 s5, $0x0  }
0x1f: {  	s9 =	smul.u32 $0xF7A, s1;
	s8 =	simm.s32 @!p0 $0x1BF5;
	p2 =	por !p2, p0  }
0x20: {  	[sflag:s8] =	ssyncset.s32 @!p0 $0xFFFFF086;
	s6 =	sadd.s32 @!p0 s3, s7;
	s7 =	simm.s32 @!p0 $0x108  }
0x21: {  	s3 =	sadd.s32 s3, s9;
	s6 =	sadd.s32 @!p0 $0x88, s6;
	s7 =	simm.s32 @p2 $0x1082  }
0x22: {  	[simem:s7], [sflag:s8] =	dma.local @!p0 [hbm:s6], $0xF7A  }
0x23: {  	s9 =	sor.u32 $0xD0000000, s2;
	s6 =	simm.s32 $0x108;
	_ =	swait.ge @!p0 [sflag:s8], $0x0  }
0x24: {  	s3 =	sadd.s32 $0x88, s3;
	s6 =	simm.s32 @!p1 $0x1082;
	[sflag:s4] =	ssyncset.s32 $0xFFFFF086  }
0x25: {  	[simem:s6], [sflag:s4] =	dma.local [hbm:s3], $0xF7A  }
0x26: {  	[smem:$0x3F92] =	sst s1;
	(tag) =	ssettag s2;
	_ =	strace s9  }
0x27: {  	s1 =	sld [smem:$0x3FA2]  }
0x28: {  	s2 =	sld [smem:$0x3FA3]  }
0x29: {  	s4 =	sld [smem:$0x3FA5]  }
0x2a: {  	p0 =	seq.s32 s5, $0x0;
	s5 =	sld [smem:$0x3FA6]  }
0x2b: {  	s6 =	sld [smem:$0x3FA7]  }
0x2c: {  	s7 =	sld [smem:$0x3FA8]  }
0x2d: {  	s3 =	simm.s32 $0x108;
	s8 =	sld [smem:$0x3FA9]  }
0x2e: {  	s3 =	simm.s32 @!p0 $0x1082;
	s9 =	sld [smem:$0x3FAA]  }
0x2f: {  	lr =	sadd.s32 s0, s3;
	s0 =	sld [smem:$0x3FA1]  }
0x30: {  	s3 =	sld [smem:$0x3FA4]  }
0x31: {  	[smem:$0x3FAD] =	sst s10  }
0x32: {  	s10 =	sld [smem:$0x3FAB];
	_ =	sdelay $0x3  }
0x33: {  	p0 =	seq.s32 s10, $0x1;
	s10 =	sld [smem:$0x3FAD];
	_ =	sdelay $0x3  }
0x34: {  	[smem:$0x3FAD] =	sst s10  }
0x35: {  	s10 =	sld [smem:$0x3FAC];
	_ =	sdelay $0x3  }
0x36: {  	p1 =	seq.s32 s10, $0x1;
	s10 =	sld [smem:$0x3FAD];
	_ =	sdelay $0x3  }
0x37: {  	[smem:$0x3FAD] =	sst s10  }
0x38: {  	s10 =	sld [smem:$0x3FAE]  }
0x39: {  	_ = 	snop;
	(pc) =	sbr.ind lr, $3  }
0x3a: {  	_ = 	snop  }
0x3b: {  	_ = 	snop  }
0x3c: {  	p2 =	seq.s32 s10, $0x1;
	s10 =	sld [smem:$0x3FAD]  }
0x3d: {  	_ =	shalt  }
0x3e: {  	_ =	shalt  }
0x3f: {  	_ =	shalt  }
0x40: {  	_ =	shalt  }
0x41: {  	_ =	shalt  }
0x42: {  	_ =	shalt  }
0x43: {  	_ =	shalt  }
0x44: {  	_ =	shalt  }
0x45: {  	_ =	shalt  }
0x46: {  	_ =	shalt  }
0x47: {  	_ =	shalt  }
0x48: {  	_ =	shalt  }
0x49: {  	_ =	shalt  }
0x4a: {  	_ =	shalt  }
0x4b: {  	_ =	shalt  }
0x4c: {  	_ =	shalt  }
0x4d: {  	_ =	shalt  }
0x4e: {  	_ =	shalt  }
0x4f: {  	_ =	shalt  }
0x50: {  	_ =	shalt  }
0x51: {  	_ =	shalt  }
0x52: {  	_ =	shalt  }
0x53: {  	_ =	shalt  }
0x54: {  	_ =	shalt  }
0x55: {  	_ =	shalt  }
0x56: {  	_ =	shalt  }
0x57: {  	_ =	shalt  }
0x58: {  	_ =	shalt  }
0x59: {  	_ =	shalt  }
0x5a: {  	_ =	shalt  }
0x5b: {  	_ =	shalt  }
0x5c: {  	_ =	shalt  }
0x5d: {  	_ =	shalt  }
0x5e: {  	_ =	shalt  }
0x5f: {  	_ =	shalt  }
0x60: {  	_ =	shalt  }
0x61: {  	_ =	shalt  }
0x62: {  	_ =	shalt  }
0x63: {  	_ =	shalt  }
0x64: {  	_ =	shalt  }
0x65: {  	_ =	shalt  }
0x66: {  	_ =	shalt  }
0x67: {  	_ =	shalt  }
0x68: {  	_ =	shalt  }
0x69: {  	_ =	shalt  }
0x6a: {  	_ =	shalt  }
0x6b: {  	_ =	shalt  }
0x6c: {  	_ =	shalt  }
0x6d: {  	_ =	shalt  }
0x6e: {  	_ =	shalt  }
0x6f: {  	_ =	shalt  }
0x70: {  	_ =	shalt  }
0x71: {  	_ =	shalt  }
0x72: {  	_ =	shalt  }
0x73: {  	_ =	shalt  }
0x74: {  	_ =	shalt  }
0x75: {  	_ =	shalt  }
0x76: {  	_ =	shalt  }
0x77: {  	_ =	shalt  }
0x78: {  	_ =	shalt  }
0x79: {  	_ =	shalt  }
0x7a: {  	_ =	shalt  }
0x7b: {  	_ =	shalt  }
0x7c: {  	_ =	shalt  }
0x7d: {  	_ =	shalt  }
0x7e: {  	_ =	shalt  }
0x7f: {  	_ =	shalt  }
0x80: {  	_ =	shalt  }
0x81: {  	_ =	shalt  }
0x82: {  	_ =	shalt  }
0x83: {  	_ =	shalt  }
0x84: {  	_ =	shalt  }
0x85: {  	_ =	shalt  }
0x86: {  	_ =	shalt  }
0x87: {  	_ =	shalt  }
.Lfunc_end0:
.L_simem_size_0:
called_computation_lowered:
.L_overlay_start_0:
0x88: {  	s2 =	sld [smem:$0x3FD9]  }
0x89: {  	s3 =	sld [smem:$0x3FFE];
	_ =	sdelay $0x1  }
0x8a: {  	s1 =	srdreg.scid  }
0x8b: {  	s0 =	sand.u32 $0x1, s1  }
0x8c: {  	s16 =	sshll.u32 s0, $0xA;
	s2 =	sadd.s32 s3, s2  }
0x8d: {  	s2 =	sadd.s32 s2, s16  }
0x8e: {  	[smem:$0x3FB9] =	sst s2  }
0x8f: {  	_ = 	snop  }
0x90: {  	(tm) =	ssettm $0x1  }
0x91: {  	s17 =	sld [smem:$0x3FFB];
	_ =	sdelay $0x3  }
0x92: {  	_ =	strace s17  }
0x93: {  	s2 =	sld [smem:$0x3FFC];
	_ =	sdelay $0x3  }
0x94: {  	_ =	strace s2  }
0x95: {  	s2 =	sld [smem:$0x3FFD];
	_ =	sdelay $0x3  }
0x96: {  	_ =	strace s2  }
0x97: {  	_ =	strace $0x8FFFFFFF  }
0x98: {  	s18 =	sld [smem:$0x3FDB];
	_ =	sdelay $0x1  }
0x99: {  	s19 =	simm.s32 $_scs_section_size  }
0x9a: {  	s4 =	simm.s32 $_size__tile_overlayer_lowered;
	s5 =	simm.s32 $_tile_overlayer_lowered  }
0x9b: {  	s22 =	simm.s32 $0x1BFF;
	s21 =	sshll.u32 s5, $0x1;
	s2 =	sadd.s32 s19, s18  }
0x9c: {  	s6 =	simm.s32 $0x0;
	s20 =	sshll.u32 s4, $0x1;
	s4 =	sadd.s32 s21, s2  }
0x9d: {  	[timem:s6], [sflag:s22] =	dma.local [hbm:s4], s20  }
0x9e: {  	_ =	swait.ge [sflag:s22], s20  }
0x9f: {  	s3 =	ssub.s32 $0x0, s20;
	[sflag:s22] =	ssyncset.done $0x0  }
0xa0: {  	[sflag:s22] =	ssyncadd.s32 s3;
	_ =	sdelay $0x1  }
0xa1: {  	s23 =	simm.s32 $0x1B8B  }
0xa2: {  	_ =	swait.ge [sflag:s23], $0x1  }
0xa3: {  	[sflag:s23] =	ssyncset.done $0x0  }
0xa4: {  	s25 =	simm.s32 $0x1B8E;
	s24 =	sld [smem:$0x3FFE];
	[sflag:s23] =	ssyncadd.s32 $0xFFFFFFFF  }
0xa5: {  	s26 =	simm.s32 $execute0_lowered;
	[smem:$0x3FD2] =	sst s25  }
0xa6: {  	s4 =	sshll.u32 s26, $0x1;
	_ =	strace $0x80000046;
	[dreg:$0x1] =	wrdreg $0xFFFFFFFF  }
0xa7: {  	s28 =	simm.s32 $_size_execute0_lowered;
	s2 =	sadd.s32 s2, s4;
	[dreg:$0x0] =	wrdreg $0x0  }
0xa8: {  	s4 =	sshll.u32 s28, $0x1;
	[dreg:$0x2] =	wrdreg s2  }
0xa9: {  	[dreg:$0x3] =	wrdreg s4  }
0xaa: {  	[dreg:$0x4] =	wrdreg $0xC0  }
0xab: {  	_ =	task [dreg:s6], $0x5FFFF  }
0xac: {  	[dreg:$0x1] =	wrdreg $0xFFFFFFFF  }
0xad: {  	[dreg:$0x0] =	wrdreg $0x60  }
0xae: {  	[dreg:$0x2] =	wrdreg s24  }
0xaf: {  	[dreg:$0x3] =	wrdreg $0x90000  }
0xb0: {  	[dreg:$0x4] =	wrdreg $0x9  }
0xb1: {  	_ =	task.clear_ibuf [dreg:s6], $0x5FFFF;
	_ =	strace $0x90000046  }
0xb2: {  	s29 =	simm.s32 $0x9;
	_ =	strace $0x80000048  }
0xb3: {  	_ =	swait.ge [sflag:s29], $0x1  }
0xb4: {  	[sflag:s29] =	ssyncadd.s32 $0xFFFFFFFF  }
0xb5: {  	_ =	strace $0x90000048  }
0xb6: {  	_ =	sfence  }
0xb7: {  	s30 =	sld [smem:$0x0];
	_ =	sdelay $0x2  }
0xb8: {  	s31 =	sshll.u32 s1, $0xD;
	s1 =	sshrl.u32 s1, $0x2  }
0xb9: {  	s3 =	sand.u32 $0x4000, s31;
	s1 =	sadd.s32 s1, s30  }
0xba: {  	s0 =	sor.u32 s3, s0;
	s1 =	sshll.u32 s1, $0x11  }
0xbb: {  	s0 =	sor.u32 s1, s0  }
0xbc: {  	s0 =	sadd.s32 $0x8F2B, s0  }
0xbd: {  	[sflag:s0] =	ssyncadd.remote.s32 $0x1  }
0xbe: {  	_ =	sfence.sel $0xFFFF  }
0xbf: {  	[dreg:$0x0] =	wrdreg $0xFFFFFFFF;
	(pc) =	sbr.abs _section_cstart, $3  }
0xc0: {  	[dreg:$0x1] =	wrdreg $0xFFFFFFFF  }
0xc1: {  	_ =	task.clear_ibuf [dreg:s6], $0x2FFFF;
	_ =	strace $0x9FFFFFFF  }
0xc2: {  	(tm) =	ssettm $0x7FFFFFFF  }
0xc3: {  	_ =	shalt  }
tec
execute0_lowered:
.L_overlay_start_1:
0x0: {  	(tag) =	ssettag $0x1  }
0x1: {  	s6 =	rddreg [dreg:$0x0]  }
0x2: {  	s0 =	srdreg.scid;
	s2 =	rddreg [dreg:$0x1]  }
0x3: {  	s3 =	simm.s32 $0x0;
	s5 =	sand.u32 $0x1, s0;
	s0 =	stileid.u32  }
0x4: {  	s13 =	simm.s32 $0x100;
	s14 =	simm.s32 $0x180;
	s16 =	smul.u32 $0x1480, s0  }
0x5: {  	s15 =	simm.s32 $0x1;
	[smem:$0x7FF] =	sst s3;
	s8 =	smul.u32 $0x14800, s5  }
0x6: {  	s1 =	sshll.u32 s5, $0x4;
	s5 =	ssub.s32 $0x2, s5;
	s9 =	smul.u32 $0x29000, s0  }
0x7: {  	s31 =	sshll.u32 s0, $0x6;
	s4 =	sor.u32 s0, s1;
	s1 =	rddreg [dreg:$0x2]  }
0x8: {  	_ =	strace $0x80000047;
	s29 =	sshrl.u32 s5, $0x1;
	s4 =	smul.u32 $0xA00, s4  }
0x9: {  	s10 =	sadd.s32 s16, s6;
	s8 =	sadd.s32 s8, s6;
	s30 =	sshrl.u32 s9, $0x2  }
0xa: {  	s11 =	ssub.s32 s5, s29;
	s9 =	simm.s32 $0x5000;
	s12 =	sadd.s32 s30, s2  }
0xb: {  	s17 =	sadd.s32 $0x2D400, s8;
	s8 =	simm.s32 $0x2;
	s7 =	sadd.s32 s4, s6  }
0xc: {  	s4 =	sadd.s32 $0x2CC00, s6;
	s6 =	sadd.s32 $0x18400, s10;
	s10 =	sor.u32 $0x1C02, s31  }
0xd: {  	s16 =	sadd.s32 s16, s17;
	s17 =	simm.s32 $0x0;
	s5 =	sadd.s32 $0x4400, s7  }
0xe: {  	s7 =	smax.u32 s11, $0x1;
	s11 =	sshrl.u32 s12, $0x3;
	s12 =	simm.s32 $0x80  }
.LBB2_1:
0xf: {  	[tilespmem:s3], [sflag:$0x2] =	stream.linear.gather [hbm4b:s5+s3], $0x5000, $0x38;
	[tilespmem:$0x13400] =	vst v63  }
0x10: {  	_ =	swait.ge [sflag:s8], $0x5000  }
0x11: {  	[sflag:s8] =	ssyncset.done $0x0  }
0x12: {  	[sflag:s8] =	ssyncadd.s32 $0xFFFFB000  }
0x13: {  	[tilespmem:s9], [sflag:$0x2] =	stream.linear.gather [hbm4b:s4+s3], $0x4000, $0x38;
	[tilespmem:$0x13400] =	vst v63  }
0x14: {  	_ =	swait.ge [sflag:s8], $0x4000  }
0x15: {  	[sflag:s8] =	ssyncset.done $0x0  }
0x16: {  	[sflag:s8] =	ssyncadd.s32 $0xFFFFC000  }
0x17: {  	[spmem:s11], [sflag:s10] =	dma.local [hbm:s6], $0x1480  }
0x18: {  	_ =	swait.ge [sflag:s8], $0x1480  }
0x19: {  	[sflag:s8] =	ssyncset.done $0x0  }
0x1a: {  	[sflag:s8] =	ssyncadd.s32 $0xFFFFEB80  }
0x1b: {  	[bflag:$0x0] =	sbarrier.arrive $0xFFFF  }
0x1c: {  	[spmem:s2] =	stream.indirect.scatter.add.f32 [tilespmem:s9], [sflag:$0x1], $0x80, s3, s12, $0xb8;
	[tilespmem:$0x13400] =	vst v63  }
0x1d: {  	_ = 	snop  }
0x1e: {  	[spmem:s2] =	stream.indirect.scatter.add.f32 [tilespmem:s9], [sflag:$0x1], $0x80, s12, s12, $0xb8;
	[tilespmem:$0x13400] =	vst v63  }
0x1f: {  	_ = 	snop  }
0x20: {  	[spmem:s2] =	stream.indirect.scatter.add.f32 [tilespmem:s9], [sflag:$0x1], $0x80, s13, s12, $0xb8;
	[tilespmem:$0x13400] =	vst v63  }
0x21: {  	_ = 	snop  }
0x22: {  	[spmem:s2] =	stream.indirect.scatter.add.f32 [tilespmem:s9], [sflag:$0x1], $0x80, s14, s12, $0xb8;
	[tilespmem:$0x13400] =	vst v63  }
0x23: {  	s19 =	simm.s32 $0x200;
	s18 =	simm.s32 $0x1;
	_ =	swait.ge [sflag:s15], $0x4000  }
0x24: {  	p0 =	por $0x0, $0x0;
	s20 =	simm.s32 $0x280;
	[sflag:s15] =	ssyncset.done $0x0  }
0x25: {  	s21 =	simm.s32 @!p0 $0x80;
	s22 =	simm.s32 @!p0 $0x5000;
	[sflag:s15] =	ssyncadd.s32 $0xFFFFC000  }
.LBB2_2:
0x26: {  	[spmem:s2] =	stream.indirect.scatter.add.f32 @!p0 [tilespmem:s22], [sflag:$0x1], $0x80, s19, s21, $0xb8;
	[tilespmem:$0x13400] =	vst v63  }
0x27: {  	s21 =	smov.u32 s18;
	s18 =	sadd.s32 $0x1, s18  }
0x28: {  	p1 =	sne.s32 s18, $0xA0  }
.Ltmp0:
0x29: {  	(pc) =	sbr.rel @p1 .LBB2_2-.Ltmp0, $4  }
0x2a: {  	s19 =	smov.u32 s20  }
0x2b: {  	_ =	swait.ge [sflag:s15], $0x4000  }
0x2c: {  	s20 =	sadd.s32 $0x80, s20;
	p0 =	sgt.u32 s21, $0x9B;
	[sflag:s15] =	ssyncset.done $0x0  }
0x2d: {  	s21 =	simm.s32 @!p0 $0x80;
	s22 =	simm.s32 @!p0 $0x5000;
	[sflag:s15] =	ssyncadd.s32 $0xFFFFC000  }
0x2e: {  	[spmem:s2] =	stream.indirect.scatter.add.f32 @!p0 [tilespmem:s22], [sflag:$0x1], $0x80, s19, s21, $0xb8;
	[tilespmem:$0x13400] =	vst v63  }
0x2f: {  	s17 =	sadd.s32 $0x1, s17  }
0x30: {  	p0 =	sne.s32 s17, s7  }
.Ltmp1:
0x31: {  	[bflag:$0x0] =	sbarrier.arrive $0xFFFF;
	(pc) =	sbr.rel @p0 .LBB2_1-.Ltmp1, $4  }
0x32: {  	[hbm:s16], [sflag:s10] =	dma.local [spmem:s11], $0x1480  }
0x33: {  	_ =	swait.ge [sflag:s8], $0x1480  }
0x34: {  	[sflag:s8] =	ssyncset.done $0x0  }
0x35: {  	[sflag:s8] =	ssyncadd.s32 $0xFFFFEB80  }
0x36: {  	_ =	sfence.sel $0x180000  }
0x37: {  	[bflag:$0x0] =	sbarrier.arrive $0xFFFF  }
0x38: {  	p0 =	sne.s32 s0, $0x0;
	_ =	strace $0x90000047  }
0x39: {  	s0 =	sadd.s32 @!p0 $0x100000, s1;
	[bflag:$0x2] =	sbarrier.arrive $0xFFFF  }
0x3a: {  	[sflag:s0] =	ssyncadd.tile.s32 @!p0 $0x1;
	_ =	shalt  }
.Lfunc_end2:
_tile_overlayer_lowered:
.L_overlay_start_2:
0x3b: {  	(tag) =	ssettag $0x2  }
0x3c: {  	s0 =	rddreg [dreg:$0x0];
	s2 =	stileid.u32  }
0x3d: {  	s1 =	rddreg [dreg:$0x1];
	p0 =	sne.s32 s2, $0x0  }
0x3e: {  	s3 =	rddreg [dreg:$0x2];
	[bflag:$0x3] =	sbarrier.arrive $0xFFFF;
	s2 =	simm.s32 @!p0 $0x1C02  }
0x3f: {  	[timem:s3], [sflag:s2] =	dma.local @!p0 [hbm:s0], s1  }
0x40: {  	s0 =	simm.s32 @!p0 $0x2  }
0x41: {  	_ =	swait.ge @!p0 [sflag:s0], s1  }
0x42: {  	s1 =	ssub.s32 @!p0 $0x0, s1;
	[sflag:s0] =	ssyncset.done @!p0 $0x0  }
0x43: {  	[sflag:s0] =	ssyncadd.s32 @!p0 s1  }
0x44: {  	[bflag:$0x3] =	sbarrier.arrive $0xFFFF  }
0x45: {  	_ =	shalt  }

</sc_bundles>
